<compile_context>
chip_gen: v7x
topology: tpu7x:2x2x1
jax: 0.10.2.dev20260603
libtpu: 0.0.44.dev20260713+nightly
codegen_flags: <defaults>
</compile_context>

<pallas_src>
import jax
import jax.numpy as jnp
from jax import lax
from jax.experimental import pallas as pl
from jax.experimental.pallas import tpu as pltpu
from jax.experimental.pallas import tpu_sc as plsc

NUM_CLASSES = 100000
EMBED_DIM = 64
BATCH = 16384

_INFO = plsc.get_sparse_core_info()
_NC = _INFO.num_cores
_NS = _INFO.num_subcores
_NW = _NC * _NS
_DIMS_PER_W = EMBED_DIM // _NW
_Q = BATCH // 4
_V = NUM_CLASSES + 1
_UNROLL = 4


def _emb_body(idx_hbm, tab_hbm, out_hbm, idx_v, row_v, out_a, out_b,
              sem_r, sem_i, sem_oa, sem_ob):
    wid = lax.axis_index("s") * _NC + lax.axis_index("c")
    out_bufs = (out_a, out_b)
    out_sems = (sem_oa, sem_ob)

    def gather_quarter(q, dst_out):
        @plsc.parallel_loop(0, _Q, step=16 * _UNROLL)
        def gbody(i):
            for u in range(_UNROLL):
                s = pl.ds(q * _Q + i + u * 16, 16)
                dst_out[pl.ds(i + u * 16, 16)] = (
                    plsc.load_gather(row_v, [idx_v[s]]))

    idx_cp = pltpu.async_copy(idx_hbm, idx_v, sem_i)
    out_waits = [None, None]
    idx_waited = False
    for d in range(_DIMS_PER_W):
        j = wid * _DIMS_PER_W + d
        row_cp = pltpu.async_copy(tab_hbm.at[j], row_v, sem_r)
        row_cp.wait()
        if not idx_waited:
            idx_cp.wait()
            idx_waited = True
        for q in range(4):
            b = q % 2
            if out_waits[b] is not None:
                out_waits[b].wait()
            gather_quarter(q, out_bufs[b])
            out_waits[b] = pltpu.async_copy(
                out_bufs[b], out_hbm.at[j, pl.ds(q * _Q, _Q)], out_sems[b])
    out_waits[0].wait()
    out_waits[1].wait()


@jax.jit
def _emb(class_labels, table_t):
    mesh = plsc.VectorSubcoreMesh(core_axis_name="c", subcore_axis_name="s")
    return pl.kernel(
        _emb_body,
        mesh=mesh,
        out_type=jax.ShapeDtypeStruct((EMBED_DIM, BATCH), jnp.float32),
        scratch_types=[
            pltpu.VMEM((BATCH,), jnp.int32),
            pltpu.VMEM((_V,), jnp.float32),
            pltpu.VMEM((_Q,), jnp.float32),
            pltpu.VMEM((_Q,), jnp.float32),
            pltpu.SemaphoreType.DMA,
            pltpu.SemaphoreType.DMA,
            pltpu.SemaphoreType.DMA,
            pltpu.SemaphoreType.DMA,
        ],
        compiler_params=pltpu.CompilerParams(
            use_tc_tiling_on_sc=True, needs_layout_passes=False),
    )(class_labels, table_t)


def kernel(class_labels, table):
    out_t = _emb(class_labels.astype(jnp.int32), table.T)
    return out_t.T

# --- scband reference (transcript-rebuilt; emitter-appended) ---
"""Pipeline reference for scband-class-embedding-28235115004160 (READ-ONLY COPY).

The authoritative reference and input builder live on the scoring server;
editing this copy changes nothing except your own understanding.
"""

import jax, jax.numpy as jnp
import numpy as np

NUM_CLASSES = 100000
EMBED_DIM = 64
BATCH = 16384

def setup_inputs(seed: int = 0) -> dict:
    key = jax.random.key(seed)
    k1, k2 = jax.random.split(key)
    class_labels = jax.random.randint(k1, (BATCH,), 0, NUM_CLASSES + 1, dtype=jnp.int64 if jax.config.jax_enable_x64 else jnp.int32)
    table = jax.random.normal(k2, (NUM_CLASSES + 1, EMBED_DIM), dtype=jnp.float32)
    return {"class_labels": class_labels, "table": table}

def reference(class_labels, table):
    # nn.Embedding lookup: table[class_labels]
    return jnp.take(table, class_labels, axis=0)

if __name__ == "__main__":
    import jax
    _d = setup_inputs()
    print(jax.jit(kernel)(*tuple(_d.values())))

</pallas_src>

<mosaic_0001>
#map = affine_map<(d0, d1) -> (0)>
#map1 = affine_map<(d0, d1) -> (0, 0)>
module attributes {stable_mosaic.version = 14 : i64} {
  func.func @_emb_body(%arg0: i32, %arg1: i32, %arg2: memref<16384xi32, #tpu.memory_space<hbm>>, %arg3: memref<64x100001xf32, #tpu.memory_space<hbm>>, %arg4: memref<64x16384xf32, #tpu.memory_space<hbm>>, %arg5: memref<16384xi32, #tpu.memory_space<vmem>>, %arg6: memref<100001xf32, #tpu.memory_space<vmem>>, %arg7: memref<4096xf32, #tpu.memory_space<vmem>>, %arg8: memref<4096xf32, #tpu.memory_space<vmem>>, %arg9: memref<!tpu.dma_semaphore, #tpu.memory_space<semaphore_mem>>, %arg10: memref<!tpu.dma_semaphore, #tpu.memory_space<semaphore_mem>>, %arg11: memref<!tpu.dma_semaphore, #tpu.memory_space<semaphore_mem>>, %arg12: memref<!tpu.dma_semaphore, #tpu.memory_space<semaphore_mem>>) attributes {dimension_semantics = [#tpu.dimension_semantics<core_parallel>, #tpu.dimension_semantics<subcore_parallel>], iteration_bounds = array<i64: 2, 16>, scalar_prefetch = 0 : i64, scratch_operands = 8 : i64, tpu.core_type = #tpu.core_type<sc_vector_subcore>, window_params = [{transform_indices = #map}, {transform_indices = #map1}, {transform_indices = #map1}]} {
    %mul3A = arith.constant 2 : i32
    %mul3A_0 = arith.muli %arg1, %mul3A : i32
    %add3A = arith.addi %mul3A_0, %arg0 : i32
    tpu.enqueue_dma source(%arg2 : memref<16384xi32, #tpu.memory_space<hbm>>) target(%arg5 : memref<16384xi32, #tpu.memory_space<vmem>>) target_semaphore(%arg10 : memref<!tpu.dma_semaphore, #tpu.memory_space<semaphore_mem>>)
    %mul3A_1 = arith.constant 2 : i32
    %mul3A_2 = arith.muli %add3A, %mul3A_1 : i32
    %add3A_3 = arith.constant 0 : i32
    %add3A_4 = arith.addi %mul3A_2, %add3A_3 : i32
    %dma_start3A = arith.constant 0 : i32
    %dma_start3A_5 = tpu.memref_slice %arg3[%add3A_4, %dma_start3A] : memref<64x100001xf32, #tpu.memory_space<hbm>> -> memref<1x100001xf32, #tpu.memory_space<hbm>>
    %dma_start3A_6 = tpu.memref_squeeze %dma_start3A_5 : memref<1x100001xf32, #tpu.memory_space<hbm>> -> memref<100001xf32, #tpu.memory_space<hbm>>
    %dma_start3A_7 = arith.constant 0 : i32
    %dma_start3A_8 = tpu.memref_slice %arg3[%add3A_4, %dma_start3A_7] : memref<64x100001xf32, #tpu.memory_space<hbm>> -> memref<1x100001xf32, #tpu.memory_space<hbm>>
    %dma_start3A_9 = tpu.memref_squeeze %dma_start3A_8 : memref<1x100001xf32, #tpu.memory_space<hbm>> -> memref<100001xf32, #tpu.memory_space<hbm>>
    tpu.enqueue_dma source(%dma_start3A_9 : memref<100001xf32, #tpu.memory_space<hbm>>) target(%arg6 : memref<100001xf32, #tpu.memory_space<vmem>>) target_semaphore(%arg9 : memref<!tpu.dma_semaphore, #tpu.memory_space<semaphore_mem>>)
    %dma_wait3A = arith.constant 0 : i32
    %dma_wait3A_10 = tpu.memref_slice %arg3[%add3A_4, %dma_wait3A] : memref<64x100001xf32, #tpu.memory_space<hbm>> -> memref<1x100001xf32, #tpu.memory_space<hbm>>
    %dma_wait3A_11 = tpu.memref_squeeze %dma_wait3A_10 : memref<1x100001xf32, #tpu.memory_space<hbm>> -> memref<100001xf32, #tpu.memory_space<hbm>>
    %dma_wait3A_12 = arith.constant 0 : i32
    %dma_wait3A_13 = tpu.memref_slice %arg3[%add3A_4, %dma_wait3A_12] : memref<64x100001xf32, #tpu.memory_space<hbm>> -> memref<1x100001xf32, #tpu.memory_space<hbm>>
    %dma_wait3A_14 = tpu.memref_squeeze %dma_wait3A_13 : memref<1x100001xf32, #tpu.memory_space<hbm>> -> memref<100001xf32, #tpu.memory_space<hbm>>
    tpu.wait_dma2 semaphore(%arg9 : memref<!tpu.dma_semaphore, #tpu.memory_space<semaphore_mem>>) src(%dma_wait3A_14 : memref<100001xf32, #tpu.memory_space<hbm>>) dst(%arg6 : memref<100001xf32, #tpu.memory_space<vmem>>)
    tpu.wait_dma2 semaphore(%arg10 : memref<!tpu.dma_semaphore, #tpu.memory_space<semaphore_mem>>) src(%arg2 : memref<16384xi32, #tpu.memory_space<hbm>>) dst(%arg5 : memref<16384xi32, #tpu.memory_space<vmem>>)
    %parallel_loop3A = arith.constant 0 : i32
    %parallel_loop3A_15 = arith.constant 4096 : i32
    %parallel_loop3A_16 = arith.constant 64 : i32
    scf.for %parallel_loop3A_150 = %parallel_loop3A to %parallel_loop3A_15 step %parallel_loop3A_16  : i32 {
      %parallel_loop3A_151 = arith.constant 0 : i32
      %parallel_loop3A_152 = arith.addi %parallel_loop3A_151, %parallel_loop3A_150 : i32
      %parallel_loop3A_153 = arith.constant 0 : i32
      %parallel_loop3A_154 = arith.addi %parallel_loop3A_152, %parallel_loop3A_153 : i32
      %parallel_loop3A_155 = arith.index_cast %parallel_loop3A_154 : i32 to index
      %parallel_loop3A_156 = tpu.vector_load %arg5[%parallel_loop3A_155] {strides = array<i32>} : memref<16384xi32, #tpu.memory_space<vmem>>, vector<16xi32>,
      %parallel_loop3A_157 = tpu.vector_load_idx %arg6[%parallel_loop3A_156] : memref<100001xf32, #tpu.memory_space<vmem>>[vector<16xi32>], vector<16xf32>,
      %parallel_loop3A_158 = arith.constant 0 : i32
      %parallel_loop3A_159 = arith.addi %parallel_loop3A_150, %parallel_loop3A_158 : i32
      %parallel_loop3A_160 = arith.index_cast %parallel_loop3A_159 : i32 to index
      %parallel_loop3A_161 = tpu.vector_load %arg7[%parallel_loop3A_160] {strides = array<i32>} : memref<4096xf32, #tpu.memory_space<vmem>>, vector<16xf32>,
      tpu.vector_store %arg7[%parallel_loop3A_160], %parallel_loop3A_157 {strides = array<i32>} : memref<4096xf32, #tpu.memory_space<vmem>>, vector<16xf32>,
      %parallel_loop3A_162 = arith.constant 0 : i32
      %parallel_loop3A_163 = arith.addi %parallel_loop3A_162, %parallel_loop3A_150 : i32
      %parallel_loop3A_164 = arith.constant 16 : i32
      %parallel_loop3A_165 = arith.addi %parallel_loop3A_163, %parallel_loop3A_164 : i32
      %parallel_loop3A_166 = arith.index_cast %parallel_loop3A_165 : i32 to index
      %parallel_loop3A_167 = tpu.vector_load %arg5[%parallel_loop3A_166] {strides = array<i32>} : memref<16384xi32, #tpu.memory_space<vmem>>, vector<16xi32>,
      %parallel_loop3A_168 = tpu.vector_load_idx %arg6[%parallel_loop3A_167] : memref<100001xf32, #tpu.memory_space<vmem>>[vector<16xi32>], vector<16xf32>,
      %parallel_loop3A_169 = arith.constant 16 : i32
      %parallel_loop3A_170 = arith.addi %parallel_loop3A_150, %parallel_loop3A_169 : i32
      %parallel_loop3A_171 = arith.index_cast %parallel_loop3A_170 : i32 to index
      %parallel_loop3A_172 = tpu.vector_load %arg7[%parallel_loop3A_171] {strides = array<i32>} : memref<4096xf32, #tpu.memory_space<vmem>>, vector<16xf32>,
      tpu.vector_store %arg7[%parallel_loop3A_171], %parallel_loop3A_168 {strides = array<i32>} : memref<4096xf32, #tpu.memory_space<vmem>>, vector<16xf32>,
      %parallel_loop3A_173 = arith.constant 0 : i32
      %parallel_loop3A_174 = arith.addi %parallel_loop3A_173, %parallel_loop3A_150 : i32
      %parallel_loop3A_175 = arith.constant 32 : i32
      %parallel_loop3A_176 = arith.addi %parallel_loop3A_174, %parallel_loop3A_175 : i32
      %parallel_loop3A_177 = arith.index_cast %parallel_loop3A_176 : i32 to index
      %parallel_loop3A_178 = tpu.vector_load %arg5[%parallel_loop3A_177] {strides = array<i32>} : memref<16384xi32, #tpu.memory_space<vmem>>, vector<16xi32>,
      %parallel_loop3A_179 = tpu.vector_load_idx %arg6[%parallel_loop3A_178] : memref<100001xf32, #tpu.memory_space<vmem>>[vector<16xi32>], vector<16xf32>,
      %parallel_loop3A_180 = arith.constant 32 : i32
      %parallel_loop3A_181 = arith.addi %parallel_loop3A_150, %parallel_loop3A_180 : i32
      %parallel_loop3A_182 = arith.index_cast %parallel_loop3A_181 : i32 to index
      %parallel_loop3A_183 = tpu.vector_load %arg7[%parallel_loop3A_182] {strides = array<i32>} : memref<4096xf32, #tpu.memory_space<vmem>>, vector<16xf32>,
      tpu.vector_store %arg7[%parallel_loop3A_182], %parallel_loop3A_179 {strides = array<i32>} : memref<4096xf32, #tpu.memory_space<vmem>>, vector<16xf32>,
      %parallel_loop3A_184 = arith.constant 0 : i32
      %parallel_loop3A_185 = arith.addi %parallel_loop3A_184, %parallel_loop3A_150 : i32
      %parallel_loop3A_186 = arith.constant 48 : i32
      %parallel_loop3A_187 = arith.addi %parallel_loop3A_185, %parallel_loop3A_186 : i32
      %parallel_loop3A_188 = arith.index_cast %parallel_loop3A_187 : i32 to index
      %parallel_loop3A_189 = tpu.vector_load %arg5[%parallel_loop3A_188] {strides = array<i32>} : memref<16384xi32, #tpu.memory_space<vmem>>, vector<16xi32>,
      %parallel_loop3A_190 = tpu.vector_load_idx %arg6[%parallel_loop3A_189] : memref<100001xf32, #tpu.memory_space<vmem>>[vector<16xi32>], vector<16xf32>,
      %parallel_loop3A_191 = arith.constant 48 : i32
      %parallel_loop3A_192 = arith.addi %parallel_loop3A_150, %parallel_loop3A_191 : i32
      %parallel_loop3A_193 = arith.index_cast %parallel_loop3A_192 : i32 to index
      %parallel_loop3A_194 = tpu.vector_load %arg7[%parallel_loop3A_193] {strides = array<i32>} : memref<4096xf32, #tpu.memory_space<vmem>>, vector<16xf32>,
      tpu.vector_store %arg7[%parallel_loop3A_193], %parallel_loop3A_190 {strides = array<i32>} : memref<4096xf32, #tpu.memory_space<vmem>>, vector<16xf32>,
    } {sc.loop_unroll_factor = 1 : i64, sc.parallel_access}
    %dma_start3A_17 = arith.constant 0 : i32
    %dma_start3A_18 = tpu.memref_slice %arg4[%add3A_4, %dma_start3A_17] : memref<64x16384xf32, #tpu.memory_space<hbm>> -> memref<1x4096xf32, #tpu.memory_space<hbm>>
    %dma_start3A_19 = tpu.memref_squeeze %dma_start3A_18 : memref<1x4096xf32, #tpu.memory_space<hbm>> -> memref<4096xf32, #tpu.memory_space<hbm>>
    %dma_start3A_20 = arith.constant 0 : i32
    %dma_start3A_21 = tpu.memref_slice %arg4[%add3A_4, %dma_start3A_20] : memref<64x16384xf32, #tpu.memory_space<hbm>> -> memref<1x4096xf32, #tpu.memory_space<hbm>>
    %dma_start3A_22 = tpu.memref_squeeze %dma_start3A_21 : memref<1x4096xf32, #tpu.memory_space<hbm>> -> memref<4096xf32, #tpu.memory_space<hbm>>
    tpu.enqueue_dma source(%arg7 : memref<4096xf32, #tpu.memory_space<vmem>>) target(%dma_start3A_22 : memref<4096xf32, #tpu.memory_space<hbm>>) target_semaphore(%arg11 : memref<!tpu.dma_semaphore, #tpu.memory_space<semaphore_mem>>)
    %parallel_loop3A_23 = arith.constant 0 : i32
    %parallel_loop3A_24 = arith.constant 4096 : i32
    %parallel_loop3A_25 = arith.constant 64 : i32
    scf.for %parallel_loop3A_150 = %parallel_loop3A_23 to %parallel_loop3A_24 step %parallel_loop3A_25  : i32 {
      %parallel_loop3A_151 = arith.constant 4096 : i32
      %parallel_loop3A_152 = arith.addi %parallel_loop3A_151, %parallel_loop3A_150 : i32
      %parallel_loop3A_153 = arith.constant 0 : i32
      %parallel_loop3A_154 = arith.addi %parallel_loop3A_152, %parallel_loop3A_153 : i32
      %parallel_loop3A_155 = arith.index_cast %parallel_loop3A_154 : i32 to index
      %parallel_loop3A_156 = tpu.vector_load %arg5[%parallel_loop3A_155] {strides = array<i32>} : memref<16384xi32, #tpu.memory_space<vmem>>, vector<16xi32>,
      %parallel_loop3A_157 = tpu.vector_load_idx %arg6[%parallel_loop3A_156] : memref<100001xf32, #tpu.memory_space<vmem>>[vector<16xi32>], vector<16xf32>,
      %parallel_loop3A_158 = arith.constant 0 : i32
      %parallel_loop3A_159 = arith.addi %parallel_loop3A_150, %parallel_loop3A_158 : i32
      %parallel_loop3A_160 = arith.index_cast %parallel_loop3A_159 : i32 to index
      %parallel_loop3A_161 = tpu.vector_load %arg8[%parallel_loop3A_160] {strides = array<i32>} : memref<4096xf32, #tpu.memory_space<vmem>>, vector<16xf32>,
      tpu.vector_store %arg8[%parallel_loop3A_160], %parallel_loop3A_157 {strides = array<i32>} : memref<4096xf32, #tpu.memory_space<vmem>>, vector<16xf32>,
      %parallel_loop3A_162 = arith.constant 4096 : i32
      %parallel_loop3A_163 = arith.addi %parallel_loop3A_162, %parallel_loop3A_150 : i32
      %parallel_loop3A_164 = arith.constant 16 : i32
      %parallel_loop3A_165 = arith.addi %parallel_loop3A_163, %parallel_loop3A_164 : i32
      %parallel_loop3A_166 = arith.index_cast %parallel_loop3A_165 : i32 to index
      %parallel_loop3A_167 = tpu.vector_load %arg5[%parallel_loop3A_166] {strides = array<i32>} : memref<16384xi32, #tpu.memory_space<vmem>>, vector<16xi32>,
      %parallel_loop3A_168 = tpu.vector_load_idx %arg6[%parallel_loop3A_167] : memref<100001xf32, #tpu.memory_space<vmem>>[vector<16xi32>], vector<16xf32>,
      %parallel_loop3A_169 = arith.constant 16 : i32
      %parallel_loop3A_170 = arith.addi %parallel_loop3A_150, %parallel_loop3A_169 : i32
      %parallel_loop3A_171 = arith.index_cast %parallel_loop3A_170 : i32 to index
      %parallel_loop3A_172 = tpu.vector_load %arg8[%parallel_loop3A_171] {strides = array<i32>} : memref<4096xf32, #tpu.memory_space<vmem>>, vector<16xf32>,
      tpu.vector_store %arg8[%parallel_loop3A_171], %parallel_loop3A_168 {strides = array<i32>} : memref<4096xf32, #tpu.memory_space<vmem>>, vector<16xf32>,
      %parallel_loop3A_173 = arith.constant 4096 : i32
      %parallel_loop3A_174 = arith.addi %parallel_loop3A_173, %parallel_loop3A_150 : i32
      %parallel_loop3A_175 = arith.constant 32 : i32
      %parallel_loop3A_176 = arith.addi %parallel_loop3A_174, %parallel_loop3A_175 : i32
      %parallel_loop3A_177 = arith.index_cast %parallel_loop3A_176 : i32 to index
      %parallel_loop3A_178 = tpu.vector_load %arg5[%parallel_loop3A_177] {strides = array<i32>} : memref<16384xi32, #tpu.memory_space<vmem>>, vector<16xi32>,
      %parallel_loop3A_179 = tpu.vector_load_idx %arg6[%parallel_loop3A_178] : memref<100001xf32, #tpu.memory_space<vmem>>[vector<16xi32>], vector<16xf32>,
      %parallel_loop3A_180 = arith.constant 32 : i32
      %parallel_loop3A_181 = arith.addi %parallel_loop3A_150, %parallel_loop3A_180 : i32
      %parallel_loop3A_182 = arith.index_cast %parallel_loop3A_181 : i32 to index
      %parallel_loop3A_183 = tpu.vector_load %arg8[%parallel_loop3A_182] {strides = array<i32>} : memref<4096xf32, #tpu.memory_space<vmem>>, vector<16xf32>,
      tpu.vector_store %arg8[%parallel_loop3A_182], %parallel_loop3A_179 {strides = array<i32>} : memref<4096xf32, #tpu.memory_space<vmem>>, vector<16xf32>,
      %parallel_loop3A_184 = arith.constant 4096 : i32
      %parallel_loop3A_185 = arith.addi %parallel_loop3A_184, %parallel_loop3A_150 : i32
      %parallel_loop3A_186 = arith.constant 48 : i32
      %parallel_loop3A_187 = arith.addi %parallel_loop3A_185, %parallel_loop3A_186 : i32
      %parallel_loop3A_188 = arith.index_cast %parallel_loop3A_187 : i32 to index
      %parallel_loop3A_189 = tpu.vector_load %arg5[%parallel_loop3A_188] {strides = array<i32>} : memref<16384xi32, #tpu.memory_space<vmem>>, vector<16xi32>,
      %parallel_loop3A_190 = tpu.vector_load_idx %arg6[%parallel_loop3A_189] : memref<100001xf32, #tpu.memory_space<vmem>>[vector<16xi32>], vector<16xf32>,
      %parallel_loop3A_191 = arith.constant 48 : i32
      %parallel_loop3A_192 = arith.addi %parallel_loop3A_150, %parallel_loop3A_191 : i32
      %parallel_loop3A_193 = arith.index_cast %parallel_loop3A_192 : i32 to index
      %parallel_loop3A_194 = tpu.vector_load %arg8[%parallel_loop3A_193] {strides = array<i32>} : memref<4096xf32, #tpu.memory_space<vmem>>, vector<16xf32>,
      tpu.vector_store %arg8[%parallel_loop3A_193], %parallel_loop3A_190 {strides = array<i32>} : memref<4096xf32, #tpu.memory_space<vmem>>, vector<16xf32>,
    } {sc.loop_unroll_factor = 1 : i64, sc.parallel_access}
    %dma_start3A_26 = arith.constant 4096 : i32
    %dma_start3A_27 = tpu.memref_slice %arg4[%add3A_4, %dma_start3A_26] : memref<64x16384xf32, #tpu.memory_space<hbm>> -> memref<1x4096xf32, #tpu.memory_space<hbm>>
    %dma_start3A_28 = tpu.memref_squeeze %dma_start3A_27 : memref<1x4096xf32, #tpu.memory_space<hbm>> -> memref<4096xf32, #tpu.memory_space<hbm>>
    %dma_start3A_29 = arith.constant 4096 : i32
    %dma_start3A_30 = tpu.memref_slice %arg4[%add3A_4, %dma_start3A_29] : memref<64x16384xf32, #tpu.memory_space<hbm>> -> memref<1x4096xf32, #tpu.memory_space<hbm>>
    %dma_start3A_31 = tpu.memref_squeeze %dma_start3A_30 : memref<1x4096xf32, #tpu.memory_space<hbm>> -> memref<4096xf32, #tpu.memory_space<hbm>>
    tpu.enqueue_dma source(%arg8 : memref<4096xf32, #tpu.memory_space<vmem>>) target(%dma_start3A_31 : memref<4096xf32, #tpu.memory_space<hbm>>) target_semaphore(%arg12 : memref<!tpu.dma_semaphore, #tpu.memory_space<semaphore_mem>>)
    %dma_wait3A_32 = arith.constant 0 : i32
    %dma_wait3A_33 = tpu.memref_slice %arg4[%add3A_4, %dma_wait3A_32] : memref<64x16384xf32, #tpu.memory_space<hbm>> -> memref<1x4096xf32, #tpu.memory_space<hbm>>
    %dma_wait3A_34 = tpu.memref_squeeze %dma_wait3A_33 : memref<1x4096xf32, #tpu.memory_space<hbm>> -> memref<4096xf32, #tpu.memory_space<hbm>>
    %dma_wait3A_35 = arith.constant 0 : i32
    %dma_wait3A_36 = tpu.memref_slice %arg4[%add3A_4, %dma_wait3A_35] : memref<64x16384xf32, #tpu.memory_space<hbm>> -> memref<1x4096xf32, #tpu.memory_space<hbm>>
    %dma_wait3A_37 = tpu.memref_squeeze %dma_wait3A_36 : memref<1x4096xf32, #tpu.memory_space<hbm>> -> memref<4096xf32, #tpu.memory_space<hbm>>
    tpu.wait_dma2 semaphore(%arg11 : memref<!tpu.dma_semaphore, #tpu.memory_space<semaphore_mem>>) src(%arg7 : memref<4096xf32, #tpu.memory_space<vmem>>) dst(%dma_wait3A_37 : memref<4096xf32, #tpu.memory_space<hbm>>)
    %parallel_loop3A_38 = arith.constant 0 : i32
    %parallel_loop3A_39 = arith.constant 4096 : i32
    %parallel_loop3A_40 = arith.constant 64 : i32
    scf.for %parallel_loop3A_150 = %parallel_loop3A_38 to %parallel_loop3A_39 step %parallel_loop3A_40  : i32 {
      %parallel_loop3A_151 = arith.constant 8192 : i32
      %parallel_loop3A_152 = arith.addi %parallel_loop3A_151, %parallel_loop3A_150 : i32
      %parallel_loop3A_153 = arith.constant 0 : i32
      %parallel_loop3A_154 = arith.addi %parallel_loop3A_152, %parallel_loop3A_153 : i32
      %parallel_loop3A_155 = arith.index_cast %parallel_loop3A_154 : i32 to index
      %parallel_loop3A_156 = tpu.vector_load %arg5[%parallel_loop3A_155] {strides = array<i32>} : memref<16384xi32, #tpu.memory_space<vmem>>, vector<16xi32>,
      %parallel_loop3A_157 = tpu.vector_load_idx %arg6[%parallel_loop3A_156] : memref<100001xf32, #tpu.memory_space<vmem>>[vector<16xi32>], vector<16xf32>,
      %parallel_loop3A_158 = arith.constant 0 : i32
      %parallel_loop3A_159 = arith.addi %parallel_loop3A_150, %parallel_loop3A_158 : i32
      %parallel_loop3A_160 = arith.index_cast %parallel_loop3A_159 : i32 to index
      %parallel_loop3A_161 = tpu.vector_load %arg7[%parallel_loop3A_160] {strides = array<i32>} : memref<4096xf32, #tpu.memory_space<vmem>>, vector<16xf32>,
      tpu.vector_store %arg7[%parallel_loop3A_160], %parallel_loop3A_157 {strides = array<i32>} : memref<4096xf32, #tpu.memory_space<vmem>>, vector<16xf32>,
      %parallel_loop3A_162 = arith.constant 8192 : i32
      %parallel_loop3A_163 = arith.addi %parallel_loop3A_162, %parallel_loop3A_150 : i32
      %parallel_loop3A_164 = arith.constant 16 : i32
      %parallel_loop3A_165 = arith.addi %parallel_loop3A_163, %parallel_loop3A_164 : i32
      %parallel_loop3A_166 = arith.index_cast %parallel_loop3A_165 : i32 to index
      %parallel_loop3A_167 = tpu.vector_load %arg5[%parallel_loop3A_166] {strides = array<i32>} : memref<16384xi32, #tpu.memory_space<vmem>>, vector<16xi32>,
      %parallel_loop3A_168 = tpu.vector_load_idx %arg6[%parallel_loop3A_167] : memref<100001xf32, #tpu.memory_space<vmem>>[vector<16xi32>], vector<16xf32>,
      %parallel_loop3A_169 = arith.constant 16 : i32
      %parallel_loop3A_170 = arith.addi %parallel_loop3A_150, %parallel_loop3A_169 : i32
      %parallel_loop3A_171 = arith.index_cast %parallel_loop3A_170 : i32 to index
      %parallel_loop3A_172 = tpu.vector_load %arg7[%parallel_loop3A_171] {strides = array<i32>} : memref<4096xf32, #tpu.memory_space<vmem>>, vector<16xf32>,
      tpu.vector_store %arg7[%parallel_loop3A_171], %parallel_loop3A_168 {strides = array<i32>} : memref<4096xf32, #tpu.memory_space<vmem>>, vector<16xf32>,
      %parallel_loop3A_173 = arith.constant 8192 : i32
      %parallel_loop3A_174 = arith.addi %parallel_loop3A_173, %parallel_loop3A_150 : i32
      %parallel_loop3A_175 = arith.constant 32 : i32
      %parallel_loop3A_176 = arith.addi %parallel_loop3A_174, %parallel_loop3A_175 : i32
      %parallel_loop3A_177 = arith.index_cast %parallel_loop3A_176 : i32 to index
      %parallel_loop3A_178 = tpu.vector_load %arg5[%parallel_loop3A_177] {strides = array<i32>} : memref<16384xi32, #tpu.memory_space<vmem>>, vector<16xi32>,
      %parallel_loop3A_179 = tpu.vector_load_idx %arg6[%parallel_loop3A_178] : memref<100001xf32, #tpu.memory_space<vmem>>[vector<16xi32>], vector<16xf32>,
      %parallel_loop3A_180 = arith.constant 32 : i32
      %parallel_loop3A_181 = arith.addi %parallel_loop3A_150, %parallel_loop3A_180 : i32
      %parallel_loop3A_182 = arith.index_cast %parallel_loop3A_181 : i32 to index
      %parallel_loop3A_183 = tpu.vector_load %arg7[%parallel_loop3A_182] {strides = array<i32>} : memref<4096xf32, #tpu.memory_space<vmem>>, vector<16xf32>,
      tpu.vector_store %arg7[%parallel_loop3A_182], %parallel_loop3A_179 {strides = array<i32>} : memref<4096xf32, #tpu.memory_space<vmem>>, vector<16xf32>,
      %parallel_loop3A_184 = arith.constant 8192 : i32
      %parallel_loop3A_185 = arith.addi %parallel_loop3A_184, %parallel_loop3A_150 : i32
      %parallel_loop3A_186 = arith.constant 48 : i32
      %parallel_loop3A_187 = arith.addi %parallel_loop3A_185, %parallel_loop3A_186 : i32
      %parallel_loop3A_188 = arith.index_cast %parallel_loop3A_187 : i32 to index
      %parallel_loop3A_189 = tpu.vector_load %arg5[%parallel_loop3A_188] {strides = array<i32>} : memref<16384xi32, #tpu.memory_space<vmem>>, vector<16xi32>,
      %parallel_loop3A_190 = tpu.vector_load_idx %arg6[%parallel_loop3A_189] : memref<100001xf32, #tpu.memory_space<vmem>>[vector<16xi32>], vector<16xf32>,
      %parallel_loop3A_191 = arith.constant 48 : i32
      %parallel_loop3A_192 = arith.addi %parallel_loop3A_150, %parallel_loop3A_191 : i32
      %parallel_loop3A_193 = arith.index_cast %parallel_loop3A_192 : i32 to index
      %parallel_loop3A_194 = tpu.vector_load %arg7[%parallel_loop3A_193] {strides = array<i32>} : memref<4096xf32, #tpu.memory_space<vmem>>, vector<16xf32>,
      tpu.vector_store %arg7[%parallel_loop3A_193], %parallel_loop3A_190 {strides = array<i32>} : memref<4096xf32, #tpu.memory_space<vmem>>, vector<16xf32>,
    } {sc.loop_unroll_factor = 1 : i64, sc.parallel_access}
    %dma_start3A_41 = arith.constant 8192 : i32
    %dma_start3A_42 = tpu.memref_slice %arg4[%add3A_4, %dma_start3A_41] : memref<64x16384xf32, #tpu.memory_space<hbm>> -> memref<1x4096xf32, #tpu.memory_space<hbm>>
    %dma_start3A_43 = tpu.memref_squeeze %dma_start3A_42 : memref<1x4096xf32, #tpu.memory_space<hbm>> -> memref<4096xf32, #tpu.memory_space<hbm>>
    %dma_start3A_44 = arith.constant 8192 : i32
    %dma_start3A_45 = tpu.memref_slice %arg4[%add3A_4, %dma_start3A_44] : memref<64x16384xf32, #tpu.memory_space<hbm>> -> memref<1x4096xf32, #tpu.memory_space<hbm>>
    %dma_start3A_46 = tpu.memref_squeeze %dma_start3A_45 : memref<1x4096xf32, #tpu.memory_space<hbm>> -> memref<4096xf32, #tpu.memory_space<hbm>>
    tpu.enqueue_dma source(%arg7 : memref<4096xf32, #tpu.memory_space<vmem>>) target(%dma_start3A_46 : memref<4096xf32, #tpu.memory_space<hbm>>) target_semaphore(%arg11 : memref<!tpu.dma_semaphore, #tpu.memory_space<semaphore_mem>>)
    %dma_wait3A_47 = arith.constant 4096 : i32
    %dma_wait3A_48 = tpu.memref_slice %arg4[%add3A_4, %dma_wait3A_47] : memref<64x16384xf32, #tpu.memory_space<hbm>> -> memref<1x4096xf32, #tpu.memory_space<hbm>>
    %dma_wait3A_49 = tpu.memref_squeeze %dma_wait3A_48 : memref<1x4096xf32, #tpu.memory_space<hbm>> -> memref<4096xf32, #tpu.memory_space<hbm>>
    %dma_wait3A_50 = arith.constant 4096 : i32
    %dma_wait3A_51 = tpu.memref_slice %arg4[%add3A_4, %dma_wait3A_50] : memref<64x16384xf32, #tpu.memory_space<hbm>> -> memref<1x4096xf32, #tpu.memory_space<hbm>>
    %dma_wait3A_52 = tpu.memref_squeeze %dma_wait3A_51 : memref<1x4096xf32, #tpu.memory_space<hbm>> -> memref<4096xf32, #tpu.memory_space<hbm>>
    tpu.wait_dma2 semaphore(%arg12 : memref<!tpu.dma_semaphore, #tpu.memory_space<semaphore_mem>>) src(%arg8 : memref<4096xf32, #tpu.memory_space<vmem>>) dst(%dma_wait3A_52 : memref<4096xf32, #tpu.memory_space<hbm>>)
    %parallel_loop3A_53 = arith.constant 0 : i32
    %parallel_loop3A_54 = arith.constant 4096 : i32
    %parallel_loop3A_55 = arith.constant 64 : i32
    scf.for %parallel_loop3A_150 = %parallel_loop3A_53 to %parallel_loop3A_54 step %parallel_loop3A_55  : i32 {
      %parallel_loop3A_151 = arith.constant 12288 : i32
      %parallel_loop3A_152 = arith.addi %parallel_loop3A_151, %parallel_loop3A_150 : i32
      %parallel_loop3A_153 = arith.constant 0 : i32
      %parallel_loop3A_154 = arith.addi %parallel_loop3A_152, %parallel_loop3A_153 : i32
      %parallel_loop3A_155 = arith.index_cast %parallel_loop3A_154 : i32 to index
      %parallel_loop3A_156 = tpu.vector_load %arg5[%parallel_loop3A_155] {strides = array<i32>} : memref<16384xi32, #tpu.memory_space<vmem>>, vector<16xi32>,
      %parallel_loop3A_157 = tpu.vector_load_idx %arg6[%parallel_loop3A_156] : memref<100001xf32, #tpu.memory_space<vmem>>[vector<16xi32>], vector<16xf32>,
      %parallel_loop3A_158 = arith.constant 0 : i32
      %parallel_loop3A_159 = arith.addi %parallel_loop3A_150, %parallel_loop3A_158 : i32
      %parallel_loop3A_160 = arith.index_cast %parallel_loop3A_159 : i32 to index
      %parallel_loop3A_161 = tpu.vector_load %arg8[%parallel_loop3A_160] {strides = array<i32>} : memref<4096xf32, #tpu.memory_space<vmem>>, vector<16xf32>,
      tpu.vector_store %arg8[%parallel_loop3A_160], %parallel_loop3A_157 {strides = array<i32>} : memref<4096xf32, #tpu.memory_space<vmem>>, vector<16xf32>,
      %parallel_loop3A_162 = arith.constant 12288 : i32
      %parallel_loop3A_163 = arith.addi %parallel_loop3A_162, %parallel_loop3A_150 : i32
      %parallel_loop3A_164 = arith.constant 16 : i32
      %parallel_loop3A_165 = arith.addi %parallel_loop3A_163, %parallel_loop3A_164 : i32
      %parallel_loop3A_166 = arith.index_cast %parallel_loop3A_165 : i32 to index
      %parallel_loop3A_167 = tpu.vector_load %arg5[%parallel_loop3A_166] {strides = array<i32>} : memref<16384xi32, #tpu.memory_space<vmem>>, vector<16xi32>,
      %parallel_loop3A_168 = tpu.vector_load_idx %arg6[%parallel_loop3A_167] : memref<100001xf32, #tpu.memory_space<vmem>>[vector<16xi32>], vector<16xf32>,
      %parallel_loop3A_169 = arith.constant 16 : i32
      %parallel_loop3A_170 = arith.addi %parallel_loop3A_150, %parallel_loop3A_169 : i32
      %parallel_loop3A_171 = arith.index_cast %parallel_loop3A_170 : i32 to index
      %parallel_loop3A_172 = tpu.vector_load %arg8[%parallel_loop3A_171] {strides = array<i32>} : memref<4096xf32, #tpu.memory_space<vmem>>, vector<16xf32>,
      tpu.vector_store %arg8[%parallel_loop3A_171], %parallel_loop3A_168 {strides = array<i32>} : memref<4096xf32, #tpu.memory_space<vmem>>, vector<16xf32>,
      %parallel_loop3A_173 = arith.constant 12288 : i32
      %parallel_loop3A_174 = arith.addi %parallel_loop3A_173, %parallel_loop3A_150 : i32
      %parallel_loop3A_175 = arith.constant 32 : i32
      %parallel_loop3A_176 = arith.addi %parallel_loop3A_174, %parallel_loop3A_175 : i32
      %parallel_loop3A_177 = arith.index_cast %parallel_loop3A_176 : i32 to index
      %parallel_loop3A_178 = tpu.vector_load %arg5[%parallel_loop3A_177] {strides = array<i32>} : memref<16384xi32, #tpu.memory_space<vmem>>, vector<16xi32>,
      %parallel_loop3A_179 = tpu.vector_load_idx %arg6[%parallel_loop3A_178] : memref<100001xf32, #tpu.memory_space<vmem>>[vector<16xi32>], vector<16xf32>,
      %parallel_loop3A_180 = arith.constant 32 : i32
      %parallel_loop3A_181 = arith.addi %parallel_loop3A_150, %parallel_loop3A_180 : i32
      %parallel_loop3A_182 = arith.index_cast %parallel_loop3A_181 : i32 to index
      %parallel_loop3A_183 = tpu.vector_load %arg8[%parallel_loop3A_182] {strides = array<i32>} : memref<4096xf32, #tpu.memory_space<vmem>>, vector<16xf32>,
      tpu.vector_store %arg8[%parallel_loop3A_182], %parallel_loop3A_179 {strides = array<i32>} : memref<4096xf32, #tpu.memory_space<vmem>>, vector<16xf32>,
      %parallel_loop3A_184 = arith.constant 12288 : i32
      %parallel_loop3A_185 = arith.addi %parallel_loop3A_184, %parallel_loop3A_150 : i32
      %parallel_loop3A_186 = arith.constant 48 : i32
      %parallel_loop3A_187 = arith.addi %parallel_loop3A_185, %parallel_loop3A_186 : i32
      %parallel_loop3A_188 = arith.index_cast %parallel_loop3A_187 : i32 to index
      %parallel_loop3A_189 = tpu.vector_load %arg5[%parallel_loop3A_188] {strides = array<i32>} : memref<16384xi32, #tpu.memory_space<vmem>>, vector<16xi32>,
      %parallel_loop3A_190 = tpu.vector_load_idx %arg6[%parallel_loop3A_189] : memref<100001xf32, #tpu.memory_space<vmem>>[vector<16xi32>], vector<16xf32>,
      %parallel_loop3A_191 = arith.constant 48 : i32
      %parallel_loop3A_192 = arith.addi %parallel_loop3A_150, %parallel_loop3A_191 : i32
      %parallel_loop3A_193 = arith.index_cast %parallel_loop3A_192 : i32 to index
      %parallel_loop3A_194 = tpu.vector_load %arg8[%parallel_loop3A_193] {strides = array<i32>} : memref<4096xf32, #tpu.memory_space<vmem>>, vector<16xf32>,
      tpu.vector_store %arg8[%parallel_loop3A_193], %parallel_loop3A_190 {strides = array<i32>} : memref<4096xf32, #tpu.memory_space<vmem>>, vector<16xf32>,
    } {sc.loop_unroll_factor = 1 : i64, sc.parallel_access}
    %dma_start3A_56 = arith.constant 12288 : i32
    %dma_start3A_57 = tpu.memref_slice %arg4[%add3A_4, %dma_start3A_56] : memref<64x16384xf32, #tpu.memory_space<hbm>> -> memref<1x4096xf32, #tpu.memory_space<hbm>>
    %dma_start3A_58 = tpu.memref_squeeze %dma_start3A_57 : memref<1x4096xf32, #tpu.memory_space<hbm>> -> memref<4096xf32, #tpu.memory_space<hbm>>
    %dma_start3A_59 = arith.constant 12288 : i32
    %dma_start3A_60 = tpu.memref_slice %arg4[%add3A_4, %dma_start3A_59] : memref<64x16384xf32, #tpu.memory_space<hbm>> -> memref<1x4096xf32, #tpu.memory_space<hbm>>
    %dma_start3A_61 = tpu.memref_squeeze %dma_start3A_60 : memref<1x4096xf32, #tpu.memory_space<hbm>> -> memref<4096xf32, #tpu.memory_space<hbm>>
    tpu.enqueue_dma source(%arg8 : memref<4096xf32, #tpu.memory_space<vmem>>) target(%dma_start3A_61 : memref<4096xf32, #tpu.memory_space<hbm>>) target_semaphore(%arg12 : memref<!tpu.dma_semaphore, #tpu.memory_space<semaphore_mem>>)
    %mul3A_62 = arith.constant 2 : i32
    %mul3A_63 = arith.muli %add3A, %mul3A_62 : i32
    %add3A_64 = arith.constant 1 : i32
    %add3A_65 = arith.addi %mul3A_63, %add3A_64 : i32
    %dma_start3A_66 = arith.constant 0 : i32
    %dma_start3A_67 = tpu.memref_slice %arg3[%add3A_65, %dma_start3A_66] : memref<64x100001xf32, #tpu.memory_space<hbm>> -> memref<1x100001xf32, #tpu.memory_space<hbm>>
    %dma_start3A_68 = tpu.memref_squeeze %dma_start3A_67 : memref<1x100001xf32, #tpu.memory_space<hbm>> -> memref<100001xf32, #tpu.memory_space<hbm>>
    %dma_start3A_69 = arith.constant 0 : i32
    %dma_start3A_70 = tpu.memref_slice %arg3[%add3A_65, %dma_start3A_69] : memref<64x100001xf32, #tpu.memory_space<hbm>> -> memref<1x100001xf32, #tpu.memory_space<hbm>>
    %dma_start3A_71 = tpu.memref_squeeze %dma_start3A_70 : memref<1x100001xf32, #tpu.memory_space<hbm>> -> memref<100001xf32, #tpu.memory_space<hbm>>
    tpu.enqueue_dma source(%dma_start3A_71 : memref<100001xf32, #tpu.memory_space<hbm>>) target(%arg6 : memref<100001xf32, #tpu.memory_space<vmem>>) target_semaphore(%arg9 : memref<!tpu.dma_semaphore, #tpu.memory_space<semaphore_mem>>)
    %dma_wait3A_72 = arith.constant 0 : i32
    %dma_wait3A_73 = tpu.memref_slice %arg3[%add3A_65, %dma_wait3A_72] : memref<64x100001xf32, #tpu.memory_space<hbm>> -> memref<1x100001xf32, #tpu.memory_space<hbm>>
    %dma_wait3A_74 = tpu.memref_squeeze %dma_wait3A_73 : memref<1x100001xf32, #tpu.memory_space<hbm>> -> memref<100001xf32, #tpu.memory_space<hbm>>
    %dma_wait3A_75 = arith.constant 0 : i32
    %dma_wait3A_76 = tpu.memref_slice %arg3[%add3A_65, %dma_wait3A_75] : memref<64x100001xf32, #tpu.memory_space<hbm>> -> memref<1x100001xf32, #tpu.memory_space<hbm>>
    %dma_wait3A_77 = tpu.memref_squeeze %dma_wait3A_76 : memref<1x100001xf32, #tpu.memory_space<hbm>> -> memref<100001xf32, #tpu.memory_space<hbm>>
    tpu.wait_dma2 semaphore(%arg9 : memref<!tpu.dma_semaphore, #tpu.memory_space<semaphore_mem>>) src(%dma_wait3A_77 : memref<100001xf32, #tpu.memory_space<hbm>>) dst(%arg6 : memref<100001xf32, #tpu.memory_space<vmem>>)
    %dma_wait3A_78 = arith.constant 8192 : i32
    %dma_wait3A_79 = tpu.memref_slice %arg4[%add3A_4, %dma_wait3A_78] : memref<64x16384xf32, #tpu.memory_space<hbm>> -> memref<1x4096xf32, #tpu.memory_space<hbm>>
    %dma_wait3A_80 = tpu.memref_squeeze %dma_wait3A_79 : memref<1x4096xf32, #tpu.memory_space<hbm>> -> memref<4096xf32, #tpu.memory_space<hbm>>
    %dma_wait3A_81 = arith.constant 8192 : i32
    %dma_wait3A_82 = tpu.memref_slice %arg4[%add3A_4, %dma_wait3A_81] : memref<64x16384xf32, #tpu.memory_space<hbm>> -> memref<1x4096xf32, #tpu.memory_space<hbm>>
    %dma_wait3A_83 = tpu.memref_squeeze %dma_wait3A_82 : memref<1x4096xf32, #tpu.memory_space<hbm>> -> memref<4096xf32, #tpu.memory_space<hbm>>
    tpu.wait_dma2 semaphore(%arg11 : memref<!tpu.dma_semaphore, #tpu.memory_space<semaphore_mem>>) src(%arg7 : memref<4096xf32, #tpu.memory_space<vmem>>) dst(%dma_wait3A_83 : memref<4096xf32, #tpu.memory_space<hbm>>)
    %parallel_loop3A_84 = arith.constant 0 : i32
    %parallel_loop3A_85 = arith.constant 4096 : i32
    %parallel_loop3A_86 = arith.constant 64 : i32
    scf.for %parallel_loop3A_150 = %parallel_loop3A_84 to %parallel_loop3A_85 step %parallel_loop3A_86  : i32 {
      %parallel_loop3A_151 = arith.constant 0 : i32
      %parallel_loop3A_152 = arith.addi %parallel_loop3A_151, %parallel_loop3A_150 : i32
      %parallel_loop3A_153 = arith.constant 0 : i32
      %parallel_loop3A_154 = arith.addi %parallel_loop3A_152, %parallel_loop3A_153 : i32
      %parallel_loop3A_155 = arith.index_cast %parallel_loop3A_154 : i32 to index
      %parallel_loop3A_156 = tpu.vector_load %arg5[%parallel_loop3A_155] {strides = array<i32>} : memref<16384xi32, #tpu.memory_space<vmem>>, vector<16xi32>,
      %parallel_loop3A_157 = tpu.vector_load_idx %arg6[%parallel_loop3A_156] : memref<100001xf32, #tpu.memory_space<vmem>>[vector<16xi32>], vector<16xf32>,
      %parallel_loop3A_158 = arith.constant 0 : i32
      %parallel_loop3A_159 = arith.addi %parallel_loop3A_150, %parallel_loop3A_158 : i32
      %parallel_loop3A_160 = arith.index_cast %parallel_loop3A_159 : i32 to index
      %parallel_loop3A_161 = tpu.vector_load %arg7[%parallel_loop3A_160] {strides = array<i32>} : memref<4096xf32, #tpu.memory_space<vmem>>, vector<16xf32>,
      tpu.vector_store %arg7[%parallel_loop3A_160], %parallel_loop3A_157 {strides = array<i32>} : memref<4096xf32, #tpu.memory_space<vmem>>, vector<16xf32>,
      %parallel_loop3A_162 = arith.constant 0 : i32
      %parallel_loop3A_163 = arith.addi %parallel_loop3A_162, %parallel_loop3A_150 : i32
      %parallel_loop3A_164 = arith.constant 16 : i32
      %parallel_loop3A_165 = arith.addi %parallel_loop3A_163, %parallel_loop3A_164 : i32
      %parallel_loop3A_166 = arith.index_cast %parallel_loop3A_165 : i32 to index
      %parallel_loop3A_167 = tpu.vector_load %arg5[%parallel_loop3A_166] {strides = array<i32>} : memref<16384xi32, #tpu.memory_space<vmem>>, vector<16xi32>,
      %parallel_loop3A_168 = tpu.vector_load_idx %arg6[%parallel_loop3A_167] : memref<100001xf32, #tpu.memory_space<vmem>>[vector<16xi32>], vector<16xf32>,
      %parallel_loop3A_169 = arith.constant 16 : i32
      %parallel_loop3A_170 = arith.addi %parallel_loop3A_150, %parallel_loop3A_169 : i32
      %parallel_loop3A_171 = arith.index_cast %parallel_loop3A_170 : i32 to index
      %parallel_loop3A_172 = tpu.vector_load %arg7[%parallel_loop3A_171] {strides = array<i32>} : memref<4096xf32, #tpu.memory_space<vmem>>, vector<16xf32>,
      tpu.vector_store %arg7[%parallel_loop3A_171], %parallel_loop3A_168 {strides = array<i32>} : memref<4096xf32, #tpu.memory_space<vmem>>, vector<16xf32>,
      %parallel_loop3A_173 = arith.constant 0 : i32
      %parallel_loop3A_174 = arith.addi %parallel_loop3A_173, %parallel_loop3A_150 : i32
      %parallel_loop3A_175 = arith.constant 32 : i32
      %parallel_loop3A_176 = arith.addi %parallel_loop3A_174, %parallel_loop3A_175 : i32
      %parallel_loop3A_177 = arith.index_cast %parallel_loop3A_176 : i32 to index
      %parallel_loop3A_178 = tpu.vector_load %arg5[%parallel_loop3A_177] {strides = array<i32>} : memref<16384xi32, #tpu.memory_space<vmem>>, vector<16xi32>,
      %parallel_loop3A_179 = tpu.vector_load_idx %arg6[%parallel_loop3A_178] : memref<100001xf32, #tpu.memory_space<vmem>>[vector<16xi32>], vector<16xf32>,
      %parallel_loop3A_180 = arith.constant 32 : i32
      %parallel_loop3A_181 = arith.addi %parallel_loop3A_150, %parallel_loop3A_180 : i32
      %parallel_loop3A_182 = arith.index_cast %parallel_loop3A_181 : i32 to index
      %parallel_loop3A_183 = tpu.vector_load %arg7[%parallel_loop3A_182] {strides = array<i32>} : memref<4096xf32, #tpu.memory_space<vmem>>, vector<16xf32>,
      tpu.vector_store %arg7[%parallel_loop3A_182], %parallel_loop3A_179 {strides = array<i32>} : memref<4096xf32, #tpu.memory_space<vmem>>, vector<16xf32>,
      %parallel_loop3A_184 = arith.constant 0 : i32
      %parallel_loop3A_185 = arith.addi %parallel_loop3A_184, %parallel_loop3A_150 : i32
      %parallel_loop3A_186 = arith.constant 48 : i32
      %parallel_loop3A_187 = arith.addi %parallel_loop3A_185, %parallel_loop3A_186 : i32
      %parallel_loop3A_188 = arith.index_cast %parallel_loop3A_187 : i32 to index
      %parallel_loop3A_189 = tpu.vector_load %arg5[%parallel_loop3A_188] {strides = array<i32>} : memref<16384xi32, #tpu.memory_space<vmem>>, vector<16xi32>,
      %parallel_loop3A_190 = tpu.vector_load_idx %arg6[%parallel_loop3A_189] : memref<100001xf32, #tpu.memory_space<vmem>>[vector<16xi32>], vector<16xf32>,
      %parallel_loop3A_191 = arith.constant 48 : i32
      %parallel_loop3A_192 = arith.addi %parallel_loop3A_150, %parallel_loop3A_191 : i32
      %parallel_loop3A_193 = arith.index_cast %parallel_loop3A_192 : i32 to index
      %parallel_loop3A_194 = tpu.vector_load %arg7[%parallel_loop3A_193] {strides = array<i32>} : memref<4096xf32, #tpu.memory_space<vmem>>, vector<16xf32>,
      tpu.vector_store %arg7[%parallel_loop3A_193], %parallel_loop3A_190 {strides = array<i32>} : memref<4096xf32, #tpu.memory_space<vmem>>, vector<16xf32>,
    } {sc.loop_unroll_factor = 1 : i64, sc.parallel_access}
    %dma_start3A_87 = arith.constant 0 : i32
    %dma_start3A_88 = tpu.memref_slice %arg4[%add3A_65, %dma_start3A_87] : memref<64x16384xf32, #tpu.memory_space<hbm>> -> memref<1x4096xf32, #tpu.memory_space<hbm>>
    %dma_start3A_89 = tpu.memref_squeeze %dma_start3A_88 : memref<1x4096xf32, #tpu.memory_space<hbm>> -> memref<4096xf32, #tpu.memory_space<hbm>>
    %dma_start3A_90 = arith.constant 0 : i32
    %dma_start3A_91 = tpu.memref_slice %arg4[%add3A_65, %dma_start3A_90] : memref<64x16384xf32, #tpu.memory_space<hbm>> -> memref<1x4096xf32, #tpu.memory_space<hbm>>
    %dma_start3A_92 = tpu.memref_squeeze %dma_start3A_91 : memref<1x4096xf32, #tpu.memory_space<hbm>> -> memref<4096xf32, #tpu.memory_space<hbm>>
    tpu.enqueue_dma source(%arg7 : memref<4096xf32, #tpu.memory_space<vmem>>) target(%dma_start3A_92 : memref<4096xf32, #tpu.memory_space<hbm>>) target_semaphore(%arg11 : memref<!tpu.dma_semaphore, #tpu.memory_space<semaphore_mem>>)
    %dma_wait3A_93 = arith.constant 12288 : i32
    %dma_wait3A_94 = tpu.memref_slice %arg4[%add3A_4, %dma_wait3A_93] : memref<64x16384xf32, #tpu.memory_space<hbm>> -> memref<1x4096xf32, #tpu.memory_space<hbm>>
    %dma_wait3A_95 = tpu.memref_squeeze %dma_wait3A_94 : memref<1x4096xf32, #tpu.memory_space<hbm>> -> memref<4096xf32, #tpu.memory_space<hbm>>
    %dma_wait3A_96 = arith.constant 12288 : i32
    %dma_wait3A_97 = tpu.memref_slice %arg4[%add3A_4, %dma_wait3A_96] : memref<64x16384xf32, #tpu.memory_space<hbm>> -> memref<1x4096xf32, #tpu.memory_space<hbm>>
    %dma_wait3A_98 = tpu.memref_squeeze %dma_wait3A_97 : memref<1x4096xf32, #tpu.memory_space<hbm>> -> memref<4096xf32, #tpu.memory_space<hbm>>
    tpu.wait_dma2 semaphore(%arg12 : memref<!tpu.dma_semaphore, #tpu.memory_space<semaphore_mem>>) src(%arg8 : memref<4096xf32, #tpu.memory_space<vmem>>) dst(%dma_wait3A_98 : memref<4096xf32, #tpu.memory_space<hbm>>)
    %parallel_loop3A_99 = arith.constant 0 : i32
    %parallel_loop3A_100 = arith.constant 4096 : i32
    %parallel_loop3A_101 = arith.constant 64 : i32
    scf.for %parallel_loop3A_150 = %parallel_loop3A_99 to %parallel_loop3A_100 step %parallel_loop3A_101  : i32 {
      %parallel_loop3A_151 = arith.constant 4096 : i32
      %parallel_loop3A_152 = arith.addi %parallel_loop3A_151, %parallel_loop3A_150 : i32
      %parallel_loop3A_153 = arith.constant 0 : i32
      %parallel_loop3A_154 = arith.addi %parallel_loop3A_152, %parallel_loop3A_153 : i32
      %parallel_loop3A_155 = arith.index_cast %parallel_loop3A_154 : i32 to index
      %parallel_loop3A_156 = tpu.vector_load %arg5[%parallel_loop3A_155] {strides = array<i32>} : memref<16384xi32, #tpu.memory_space<vmem>>, vector<16xi32>,
      %parallel_loop3A_157 = tpu.vector_load_idx %arg6[%parallel_loop3A_156] : memref<100001xf32, #tpu.memory_space<vmem>>[vector<16xi32>], vector<16xf32>,
      %parallel_loop3A_158 = arith.constant 0 : i32
      %parallel_loop3A_159 = arith.addi %parallel_loop3A_150, %parallel_loop3A_158 : i32
      %parallel_loop3A_160 = arith.index_cast %parallel_loop3A_159 : i32 to index
      %parallel_loop3A_161 = tpu.vector_load %arg8[%parallel_loop3A_160] {strides = array<i32>} : memref<4096xf32, #tpu.memory_space<vmem>>, vector<16xf32>,
      tpu.vector_store %arg8[%parallel_loop3A_160], %parallel_loop3A_157 {strides = array<i32>} : memref<4096xf32, #tpu.memory_space<vmem>>, vector<16xf32>,
      %parallel_loop3A_162 = arith.constant 4096 : i32
      %parallel_loop3A_163 = arith.addi %parallel_loop3A_162, %parallel_loop3A_150 : i32
      %parallel_loop3A_164 = arith.constant 16 : i32
      %parallel_loop3A_165 = arith.addi %parallel_loop3A_163, %parallel_loop3A_164 : i32
      %parallel_loop3A_166 = arith.index_cast %parallel_loop3A_165 : i32 to index
      %parallel_loop3A_167 = tpu.vector_load %arg5[%parallel_loop3A_166] {strides = array<i32>} : memref<16384xi32, #tpu.memory_space<vmem>>, vector<16xi32>,
      %parallel_loop3A_168 = tpu.vector_load_idx %arg6[%parallel_loop3A_167] : memref<100001xf32, #tpu.memory_space<vmem>>[vector<16xi32>], vector<16xf32>,
      %parallel_loop3A_169 = arith.constant 16 : i32
      %parallel_loop3A_170 = arith.addi %parallel_loop3A_150, %parallel_loop3A_169 : i32
      %parallel_loop3A_171 = arith.index_cast %parallel_loop3A_170 : i32 to index
      %parallel_loop3A_172 = tpu.vector_load %arg8[%parallel_loop3A_171] {strides = array<i32>} : memref<4096xf32, #tpu.memory_space<vmem>>, vector<16xf32>,
      tpu.vector_store %arg8[%parallel_loop3A_171], %parallel_loop3A_168 {strides = array<i32>} : memref<4096xf32, #tpu.memory_space<vmem>>, vector<16xf32>,
      %parallel_loop3A_173 = arith.constant 4096 : i32
      %parallel_loop3A_174 = arith.addi %parallel_loop3A_173, %parallel_loop3A_150 : i32
      %parallel_loop3A_175 = arith.constant 32 : i32
      %parallel_loop3A_176 = arith.addi %parallel_loop3A_174, %parallel_loop3A_175 : i32
      %parallel_loop3A_177 = arith.index_cast %parallel_loop3A_176 : i32 to index
      %parallel_loop3A_178 = tpu.vector_load %arg5[%parallel_loop3A_177] {strides = array<i32>} : memref<16384xi32, #tpu.memory_space<vmem>>, vector<16xi32>,
      %parallel_loop3A_179 = tpu.vector_load_idx %arg6[%parallel_loop3A_178] : memref<100001xf32, #tpu.memory_space<vmem>>[vector<16xi32>], vector<16xf32>,
      %parallel_loop3A_180 = arith.constant 32 : i32
      %parallel_loop3A_181 = arith.addi %parallel_loop3A_150, %parallel_loop3A_180 : i32
      %parallel_loop3A_182 = arith.index_cast %parallel_loop3A_181 : i32 to index
      %parallel_loop3A_183 = tpu.vector_load %arg8[%parallel_loop3A_182] {strides = array<i32>} : memref<4096xf32, #tpu.memory_space<vmem>>, vector<16xf32>,
      tpu.vector_store %arg8[%parallel_loop3A_182], %parallel_loop3A_179 {strides = array<i32>} : memref<4096xf32, #tpu.memory_space<vmem>>, vector<16xf32>,
      %parallel_loop3A_184 = arith.constant 4096 : i32
      %parallel_loop3A_185 = arith.addi %parallel_loop3A_184, %parallel_loop3A_150 : i32
      %parallel_loop3A_186 = arith.constant 48 : i32
      %parallel_loop3A_187 = arith.addi %parallel_loop3A_185, %parallel_loop3A_186 : i32
      %parallel_loop3A_188 = arith.index_cast %parallel_loop3A_187 : i32 to index
      %parallel_loop3A_189 = tpu.vector_load %arg5[%parallel_loop3A_188] {strides = array<i32>} : memref<16384xi32, #tpu.memory_space<vmem>>, vector<16xi32>,
      %parallel_loop3A_190 = tpu.vector_load_idx %arg6[%parallel_loop3A_189] : memref<100001xf32, #tpu.memory_space<vmem>>[vector<16xi32>], vector<16xf32>,
      %parallel_loop3A_191 = arith.constant 48 : i32
      %parallel_loop3A_192 = arith.addi %parallel_loop3A_150, %parallel_loop3A_191 : i32
      %parallel_loop3A_193 = arith.index_cast %parallel_loop3A_192 : i32 to index
      %parallel_loop3A_194 = tpu.vector_load %arg8[%parallel_loop3A_193] {strides = array<i32>} : memref<4096xf32, #tpu.memory_space<vmem>>, vector<16xf32>,
      tpu.vector_store %arg8[%parallel_loop3A_193], %parallel_loop3A_190 {strides = array<i32>} : memref<4096xf32, #tpu.memory_space<vmem>>, vector<16xf32>,
    } {sc.loop_unroll_factor = 1 : i64, sc.parallel_access}
    %dma_start3A_102 = arith.constant 4096 : i32
    %dma_start3A_103 = tpu.memref_slice %arg4[%add3A_65, %dma_start3A_102] : memref<64x16384xf32, #tpu.memory_space<hbm>> -> memref<1x4096xf32, #tpu.memory_space<hbm>>
    %dma_start3A_104 = tpu.memref_squeeze %dma_start3A_103 : memref<1x4096xf32, #tpu.memory_space<hbm>> -> memref<4096xf32, #tpu.memory_space<hbm>>
    %dma_start3A_105 = arith.constant 4096 : i32
    %dma_start3A_106 = tpu.memref_slice %arg4[%add3A_65, %dma_start3A_105] : memref<64x16384xf32, #tpu.memory_space<hbm>> -> memref<1x4096xf32, #tpu.memory_space<hbm>>
    %dma_start3A_107 = tpu.memref_squeeze %dma_start3A_106 : memref<1x4096xf32, #tpu.memory_space<hbm>> -> memref<4096xf32, #tpu.memory_space<hbm>>
    tpu.enqueue_dma source(%arg8 : memref<4096xf32, #tpu.memory_space<vmem>>) target(%dma_start3A_107 : memref<4096xf32, #tpu.memory_space<hbm>>) target_semaphore(%arg12 : memref<!tpu.dma_semaphore, #tpu.memory_space<semaphore_mem>>)
    %dma_wait3A_108 = arith.constant 0 : i32
    %dma_wait3A_109 = tpu.memref_slice %arg4[%add3A_65, %dma_wait3A_108] : memref<64x16384xf32, #tpu.memory_space<hbm>> -> memref<1x4096xf32, #tpu.memory_space<hbm>>
    %dma_wait3A_110 = tpu.memref_squeeze %dma_wait3A_109 : memref<1x4096xf32, #tpu.memory_space<hbm>> -> memref<4096xf32, #tpu.memory_space<hbm>>
    %dma_wait3A_111 = arith.constant 0 : i32
    %dma_wait3A_112 = tpu.memref_slice %arg4[%add3A_65, %dma_wait3A_111] : memref<64x16384xf32, #tpu.memory_space<hbm>> -> memref<1x4096xf32, #tpu.memory_space<hbm>>
    %dma_wait3A_113 = tpu.memref_squeeze %dma_wait3A_112 : memref<1x4096xf32, #tpu.memory_space<hbm>> -> memref<4096xf32, #tpu.memory_space<hbm>>
    tpu.wait_dma2 semaphore(%arg11 : memref<!tpu.dma_semaphore, #tpu.memory_space<semaphore_mem>>) src(%arg7 : memref<4096xf32, #tpu.memory_space<vmem>>) dst(%dma_wait3A_113 : memref<4096xf32, #tpu.memory_space<hbm>>)
    %parallel_loop3A_114 = arith.constant 0 : i32
    %parallel_loop3A_115 = arith.constant 4096 : i32
    %parallel_loop3A_116 = arith.constant 64 : i32
    scf.for %parallel_loop3A_150 = %parallel_loop3A_114 to %parallel_loop3A_115 step %parallel_loop3A_116  : i32 {
      %parallel_loop3A_151 = arith.constant 8192 : i32
      %parallel_loop3A_152 = arith.addi %parallel_loop3A_151, %parallel_loop3A_150 : i32
      %parallel_loop3A_153 = arith.constant 0 : i32
      %parallel_loop3A_154 = arith.addi %parallel_loop3A_152, %parallel_loop3A_153 : i32
      %parallel_loop3A_155 = arith.index_cast %parallel_loop3A_154 : i32 to index
      %parallel_loop3A_156 = tpu.vector_load %arg5[%parallel_loop3A_155] {strides = array<i32>} : memref<16384xi32, #tpu.memory_space<vmem>>, vector<16xi32>,
      %parallel_loop3A_157 = tpu.vector_load_idx %arg6[%parallel_loop3A_156] : memref<100001xf32, #tpu.memory_space<vmem>>[vector<16xi32>], vector<16xf32>,
      %parallel_loop3A_158 = arith.constant 0 : i32
      %parallel_loop3A_159 = arith.addi %parallel_loop3A_150, %parallel_loop3A_158 : i32
      %parallel_loop3A_160 = arith.index_cast %parallel_loop3A_159 : i32 to index
      %parallel_loop3A_161 = tpu.vector_load %arg7[%parallel_loop3A_160] {strides = array<i32>} : memref<4096xf32, #tpu.memory_space<vmem>>, vector<16xf32>,
      tpu.vector_store %arg7[%parallel_loop3A_160], %parallel_loop3A_157 {strides = array<i32>} : memref<4096xf32, #tpu.memory_space<vmem>>, vector<16xf32>,
      %parallel_loop3A_162 = arith.constant 8192 : i32
      %parallel_loop3A_163 = arith.addi %parallel_loop3A_162, %parallel_loop3A_150 : i32
      %parallel_loop3A_164 = arith.constant 16 : i32
      %parallel_loop3A_165 = arith.addi %parallel_loop3A_163, %parallel_loop3A_164 : i32
      %parallel_loop3A_166 = arith.index_cast %parallel_loop3A_165 : i32 to index
      %parallel_loop3A_167 = tpu.vector_load %arg5[%parallel_loop3A_166] {strides = array<i32>} : memref<16384xi32, #tpu.memory_space<vmem>>, vector<16xi32>,
      %parallel_loop3A_168 = tpu.vector_load_idx %arg6[%parallel_loop3A_167] : memref<100001xf32, #tpu.memory_space<vmem>>[vector<16xi32>], vector<16xf32>,
      %parallel_loop3A_169 = arith.constant 16 : i32
      %parallel_loop3A_170 = arith.addi %parallel_loop3A_150, %parallel_loop3A_169 : i32
      %parallel_loop3A_171 = arith.index_cast %parallel_loop3A_170 : i32 to index
      %parallel_loop3A_172 = tpu.vector_load %arg7[%parallel_loop3A_171] {strides = array<i32>} : memref<4096xf32, #tpu.memory_space<vmem>>, vector<16xf32>,
      tpu.vector_store %arg7[%parallel_loop3A_171], %parallel_loop3A_168 {strides = array<i32>} : memref<4096xf32, #tpu.memory_space<vmem>>, vector<16xf32>,
      %parallel_loop3A_173 = arith.constant 8192 : i32
      %parallel_loop3A_174 = arith.addi %parallel_loop3A_173, %parallel_loop3A_150 : i32
      %parallel_loop3A_175 = arith.constant 32 : i32
      %parallel_loop3A_176 = arith.addi %parallel_loop3A_174, %parallel_loop3A_175 : i32
      %parallel_loop3A_177 = arith.index_cast %parallel_loop3A_176 : i32 to index
      %parallel_loop3A_178 = tpu.vector_load %arg5[%parallel_loop3A_177] {strides = array<i32>} : memref<16384xi32, #tpu.memory_space<vmem>>, vector<16xi32>,
      %parallel_loop3A_179 = tpu.vector_load_idx %arg6[%parallel_loop3A_178] : memref<100001xf32, #tpu.memory_space<vmem>>[vector<16xi32>], vector<16xf32>,
      %parallel_loop3A_180 = arith.constant 32 : i32
      %parallel_loop3A_181 = arith.addi %parallel_loop3A_150, %parallel_loop3A_180 : i32
      %parallel_loop3A_182 = arith.index_cast %parallel_loop3A_181 : i32 to index
      %parallel_loop3A_183 = tpu.vector_load %arg7[%parallel_loop3A_182] {strides = array<i32>} : memref<4096xf32, #tpu.memory_space<vmem>>, vector<16xf32>,
      tpu.vector_store %arg7[%parallel_loop3A_182], %parallel_loop3A_179 {strides = array<i32>} : memref<4096xf32, #tpu.memory_space<vmem>>, vector<16xf32>,
      %parallel_loop3A_184 = arith.constant 8192 : i32
      %parallel_loop3A_185 = arith.addi %parallel_loop3A_184, %parallel_loop3A_150 : i32
      %parallel_loop3A_186 = arith.constant 48 : i32
      %parallel_loop3A_187 = arith.addi %parallel_loop3A_185, %parallel_loop3A_186 : i32
      %parallel_loop3A_188 = arith.index_cast %parallel_loop3A_187 : i32 to index
      %parallel_loop3A_189 = tpu.vector_load %arg5[%parallel_loop3A_188] {strides = array<i32>} : memref<16384xi32, #tpu.memory_space<vmem>>, vector<16xi32>,
      %parallel_loop3A_190 = tpu.vector_load_idx %arg6[%parallel_loop3A_189] : memref<100001xf32, #tpu.memory_space<vmem>>[vector<16xi32>], vector<16xf32>,
      %parallel_loop3A_191 = arith.constant 48 : i32
      %parallel_loop3A_192 = arith.addi %parallel_loop3A_150, %parallel_loop3A_191 : i32
      %parallel_loop3A_193 = arith.index_cast %parallel_loop3A_192 : i32 to index
      %parallel_loop3A_194 = tpu.vector_load %arg7[%parallel_loop3A_193] {strides = array<i32>} : memref<4096xf32, #tpu.memory_space<vmem>>, vector<16xf32>,
      tpu.vector_store %arg7[%parallel_loop3A_193], %parallel_loop3A_190 {strides = array<i32>} : memref<4096xf32, #tpu.memory_space<vmem>>, vector<16xf32>,
    } {sc.loop_unroll_factor = 1 : i64, sc.parallel_access}
    %dma_start3A_117 = arith.constant 8192 : i32
    %dma_start3A_118 = tpu.memref_slice %arg4[%add3A_65, %dma_start3A_117] : memref<64x16384xf32, #tpu.memory_space<hbm>> -> memref<1x4096xf32, #tpu.memory_space<hbm>>
    %dma_start3A_119 = tpu.memref_squeeze %dma_start3A_118 : memref<1x4096xf32, #tpu.memory_space<hbm>> -> memref<4096xf32, #tpu.memory_space<hbm>>
    %dma_start3A_120 = arith.constant 8192 : i32
    %dma_start3A_121 = tpu.memref_slice %arg4[%add3A_65, %dma_start3A_120] : memref<64x16384xf32, #tpu.memory_space<hbm>> -> memref<1x4096xf32, #tpu.memory_space<hbm>>
    %dma_start3A_122 = tpu.memref_squeeze %dma_start3A_121 : memref<1x4096xf32, #tpu.memory_space<hbm>> -> memref<4096xf32, #tpu.memory_space<hbm>>
    tpu.enqueue_dma source(%arg7 : memref<4096xf32, #tpu.memory_space<vmem>>) target(%dma_start3A_122 : memref<4096xf32, #tpu.memory_space<hbm>>) target_semaphore(%arg11 : memref<!tpu.dma_semaphore, #tpu.memory_space<semaphore_mem>>)
    %dma_wait3A_123 = arith.constant 4096 : i32
    %dma_wait3A_124 = tpu.memref_slice %arg4[%add3A_65, %dma_wait3A_123] : memref<64x16384xf32, #tpu.memory_space<hbm>> -> memref<1x4096xf32, #tpu.memory_space<hbm>>
    %dma_wait3A_125 = tpu.memref_squeeze %dma_wait3A_124 : memref<1x4096xf32, #tpu.memory_space<hbm>> -> memref<4096xf32, #tpu.memory_space<hbm>>
    %dma_wait3A_126 = arith.constant 4096 : i32
    %dma_wait3A_127 = tpu.memref_slice %arg4[%add3A_65, %dma_wait3A_126] : memref<64x16384xf32, #tpu.memory_space<hbm>> -> memref<1x4096xf32, #tpu.memory_space<hbm>>
    %dma_wait3A_128 = tpu.memref_squeeze %dma_wait3A_127 : memref<1x4096xf32, #tpu.memory_space<hbm>> -> memref<4096xf32, #tpu.memory_space<hbm>>
    tpu.wait_dma2 semaphore(%arg12 : memref<!tpu.dma_semaphore, #tpu.memory_space<semaphore_mem>>) src(%arg8 : memref<4096xf32, #tpu.memory_space<vmem>>) dst(%dma_wait3A_128 : memref<4096xf32, #tpu.memory_space<hbm>>)
    %parallel_loop3A_129 = arith.constant 0 : i32
    %parallel_loop3A_130 = arith.constant 4096 : i32
    %parallel_loop3A_131 = arith.constant 64 : i32
    scf.for %parallel_loop3A_150 = %parallel_loop3A_129 to %parallel_loop3A_130 step %parallel_loop3A_131  : i32 {
      %parallel_loop3A_151 = arith.constant 12288 : i32
      %parallel_loop3A_152 = arith.addi %parallel_loop3A_151, %parallel_loop3A_150 : i32
      %parallel_loop3A_153 = arith.constant 0 : i32
      %parallel_loop3A_154 = arith.addi %parallel_loop3A_152, %parallel_loop3A_153 : i32
      %parallel_loop3A_155 = arith.index_cast %parallel_loop3A_154 : i32 to index
      %parallel_loop3A_156 = tpu.vector_load %arg5[%parallel_loop3A_155] {strides = array<i32>} : memref<16384xi32, #tpu.memory_space<vmem>>, vector<16xi32>,
      %parallel_loop3A_157 = tpu.vector_load_idx %arg6[%parallel_loop3A_156] : memref<100001xf32, #tpu.memory_space<vmem>>[vector<16xi32>], vector<16xf32>,
      %parallel_loop3A_158 = arith.constant 0 : i32
      %parallel_loop3A_159 = arith.addi %parallel_loop3A_150, %parallel_loop3A_158 : i32
      %parallel_loop3A_160 = arith.index_cast %parallel_loop3A_159 : i32 to index
      %parallel_loop3A_161 = tpu.vector_load %arg8[%parallel_loop3A_160] {strides = array<i32>} : memref<4096xf32, #tpu.memory_space<vmem>>, vector<16xf32>,
      tpu.vector_store %arg8[%parallel_loop3A_160], %parallel_loop3A_157 {strides = array<i32>} : memref<4096xf32, #tpu.memory_space<vmem>>, vector<16xf32>,
      %parallel_loop3A_162 = arith.constant 12288 : i32
      %parallel_loop3A_163 = arith.addi %parallel_loop3A_162, %parallel_loop3A_150 : i32
      %parallel_loop3A_164 = arith.constant 16 : i32
      %parallel_loop3A_165 = arith.addi %parallel_loop3A_163, %parallel_loop3A_164 : i32
      %parallel_loop3A_166 = arith.index_cast %parallel_loop3A_165 : i32 to index
      %parallel_loop3A_167 = tpu.vector_load %arg5[%parallel_loop3A_166] {strides = array<i32>} : memref<16384xi32, #tpu.memory_space<vmem>>, vector<16xi32>,
      %parallel_loop3A_168 = tpu.vector_load_idx %arg6[%parallel_loop3A_167] : memref<100001xf32, #tpu.memory_space<vmem>>[vector<16xi32>], vector<16xf32>,
      %parallel_loop3A_169 = arith.constant 16 : i32
      %parallel_loop3A_170 = arith.addi %parallel_loop3A_150, %parallel_loop3A_169 : i32
      %parallel_loop3A_171 = arith.index_cast %parallel_loop3A_170 : i32 to index
      %parallel_loop3A_172 = tpu.vector_load %arg8[%parallel_loop3A_171] {strides = array<i32>} : memref<4096xf32, #tpu.memory_space<vmem>>, vector<16xf32>,
      tpu.vector_store %arg8[%parallel_loop3A_171], %parallel_loop3A_168 {strides = array<i32>} : memref<4096xf32, #tpu.memory_space<vmem>>, vector<16xf32>,
      %parallel_loop3A_173 = arith.constant 12288 : i32
      %parallel_loop3A_174 = arith.addi %parallel_loop3A_173, %parallel_loop3A_150 : i32
      %parallel_loop3A_175 = arith.constant 32 : i32
      %parallel_loop3A_176 = arith.addi %parallel_loop3A_174, %parallel_loop3A_175 : i32
      %parallel_loop3A_177 = arith.index_cast %parallel_loop3A_176 : i32 to index
      %parallel_loop3A_178 = tpu.vector_load %arg5[%parallel_loop3A_177] {strides = array<i32>} : memref<16384xi32, #tpu.memory_space<vmem>>, vector<16xi32>,
      %parallel_loop3A_179 = tpu.vector_load_idx %arg6[%parallel_loop3A_178] : memref<100001xf32, #tpu.memory_space<vmem>>[vector<16xi32>], vector<16xf32>,
      %parallel_loop3A_180 = arith.constant 32 : i32
      %parallel_loop3A_181 = arith.addi %parallel_loop3A_150, %parallel_loop3A_180 : i32
      %parallel_loop3A_182 = arith.index_cast %parallel_loop3A_181 : i32 to index
      %parallel_loop3A_183 = tpu.vector_load %arg8[%parallel_loop3A_182] {strides = array<i32>} : memref<4096xf32, #tpu.memory_space<vmem>>, vector<16xf32>,
      tpu.vector_store %arg8[%parallel_loop3A_182], %parallel_loop3A_179 {strides = array<i32>} : memref<4096xf32, #tpu.memory_space<vmem>>, vector<16xf32>,
      %parallel_loop3A_184 = arith.constant 12288 : i32
      %parallel_loop3A_185 = arith.addi %parallel_loop3A_184, %parallel_loop3A_150 : i32
      %parallel_loop3A_186 = arith.constant 48 : i32
      %parallel_loop3A_187 = arith.addi %parallel_loop3A_185, %parallel_loop3A_186 : i32
      %parallel_loop3A_188 = arith.index_cast %parallel_loop3A_187 : i32 to index
      %parallel_loop3A_189 = tpu.vector_load %arg5[%parallel_loop3A_188] {strides = array<i32>} : memref<16384xi32, #tpu.memory_space<vmem>>, vector<16xi32>,
      %parallel_loop3A_190 = tpu.vector_load_idx %arg6[%parallel_loop3A_189] : memref<100001xf32, #tpu.memory_space<vmem>>[vector<16xi32>], vector<16xf32>,
      %parallel_loop3A_191 = arith.constant 48 : i32
      %parallel_loop3A_192 = arith.addi %parallel_loop3A_150, %parallel_loop3A_191 : i32
      %parallel_loop3A_193 = arith.index_cast %parallel_loop3A_192 : i32 to index
      %parallel_loop3A_194 = tpu.vector_load %arg8[%parallel_loop3A_193] {strides = array<i32>} : memref<4096xf32, #tpu.memory_space<vmem>>, vector<16xf32>,
      tpu.vector_store %arg8[%parallel_loop3A_193], %parallel_loop3A_190 {strides = array<i32>} : memref<4096xf32, #tpu.memory_space<vmem>>, vector<16xf32>,
    } {sc.loop_unroll_factor = 1 : i64, sc.parallel_access}
    %dma_start3A_132 = arith.constant 12288 : i32
    %dma_start3A_133 = tpu.memref_slice %arg4[%add3A_65, %dma_start3A_132] : memref<64x16384xf32, #tpu.memory_space<hbm>> -> memref<1x4096xf32, #tpu.memory_space<hbm>>
    %dma_start3A_134 = tpu.memref_squeeze %dma_start3A_133 : memref<1x4096xf32, #tpu.memory_space<hbm>> -> memref<4096xf32, #tpu.memory_space<hbm>>
    %dma_start3A_135 = arith.constant 12288 : i32
    %dma_start3A_136 = tpu.memref_slice %arg4[%add3A_65, %dma_start3A_135] : memref<64x16384xf32, #tpu.memory_space<hbm>> -> memref<1x4096xf32, #tpu.memory_space<hbm>>
    %dma_start3A_137 = tpu.memref_squeeze %dma_start3A_136 : memref<1x4096xf32, #tpu.memory_space<hbm>> -> memref<4096xf32, #tpu.memory_space<hbm>>
    tpu.enqueue_dma source(%arg8 : memref<4096xf32, #tpu.memory_space<vmem>>) target(%dma_start3A_137 : memref<4096xf32, #tpu.memory_space<hbm>>) target_semaphore(%arg12 : memref<!tpu.dma_semaphore, #tpu.memory_space<semaphore_mem>>)
    %dma_wait3A_138 = arith.constant 8192 : i32
    %dma_wait3A_139 = tpu.memref_slice %arg4[%add3A_65, %dma_wait3A_138] : memref<64x16384xf32, #tpu.memory_space<hbm>> -> memref<1x4096xf32, #tpu.memory_space<hbm>>
    %dma_wait3A_140 = tpu.memref_squeeze %dma_wait3A_139 : memref<1x4096xf32, #tpu.memory_space<hbm>> -> memref<4096xf32, #tpu.memory_space<hbm>>
    %dma_wait3A_141 = arith.constant 8192 : i32
    %dma_wait3A_142 = tpu.memref_slice %arg4[%add3A_65, %dma_wait3A_141] : memref<64x16384xf32, #tpu.memory_space<hbm>> -> memref<1x4096xf32, #tpu.memory_space<hbm>>
    %dma_wait3A_143 = tpu.memref_squeeze %dma_wait3A_142 : memref<1x4096xf32, #tpu.memory_space<hbm>> -> memref<4096xf32, #tpu.memory_space<hbm>>
    tpu.wait_dma2 semaphore(%arg11 : memref<!tpu.dma_semaphore, #tpu.memory_space<semaphore_mem>>) src(%arg7 : memref<4096xf32, #tpu.memory_space<vmem>>) dst(%dma_wait3A_143 : memref<4096xf32, #tpu.memory_space<hbm>>)
    %dma_wait3A_144 = arith.constant 12288 : i32
    %dma_wait3A_145 = tpu.memref_slice %arg4[%add3A_65, %dma_wait3A_144] : memref<64x16384xf32, #tpu.memory_space<hbm>> -> memref<1x4096xf32, #tpu.memory_space<hbm>>
    %dma_wait3A_146 = tpu.memref_squeeze %dma_wait3A_145 : memref<1x4096xf32, #tpu.memory_space<hbm>> -> memref<4096xf32, #tpu.memory_space<hbm>>
    %dma_wait3A_147 = arith.constant 12288 : i32
    %dma_wait3A_148 = tpu.memref_slice %arg4[%add3A_65, %dma_wait3A_147] : memref<64x16384xf32, #tpu.memory_space<hbm>> -> memref<1x4096xf32, #tpu.memory_space<hbm>>
    %dma_wait3A_149 = tpu.memref_squeeze %dma_wait3A_148 : memref<1x4096xf32, #tpu.memory_space<hbm>> -> memref<4096xf32, #tpu.memory_space<hbm>>
    tpu.wait_dma2 semaphore(%arg12 : memref<!tpu.dma_semaphore, #tpu.memory_space<semaphore_mem>>) src(%arg8 : memref<4096xf32, #tpu.memory_space<vmem>>) dst(%dma_wait3A_149 : memref<4096xf32, #tpu.memory_space<hbm>>)
    return
  }
}

</mosaic_0001>

<sc_bundles>
// kernel: _emb.3.cloned.1.call-start
scs
__scs_entry_jumppad:
0x0: {  	(pc) =	sbr.rel $0x88, $3  }
0x1: {  	(tag) =	ssettag $0x0;
	lr =	simm.s32 $0x1  }
0x2: {  	[smem:$0x3F9F] =	sst lr;
	_ =	strace $0xD0000000  }
0x3: {  	_ = 	snop  }
0x4: {  	_ = 	snop  }
0x5: {  	_ = 	snop  }
0x6: {  	_ = 	snop  }
0x7: {  	_ = 	snop  }
__scs_overlays_trampoline_lowered:
0x8: {  	[smem:$0x3FAE] =	sst s0  }
0x9: {  	[smem:$0x3FAF] =	sst s1  }
0xa: {  	[smem:$0x3FB0] =	sst s2  }
0xb: {  	[smem:$0x3FB1] =	sst s3  }
0xc: {  	[smem:$0x3FB2] =	sst s4  }
0xd: {  	[smem:$0x3FB3] =	sst s5  }
0xe: {  	[smem:$0x3FB4] =	sst s6  }
0xf: {  	[smem:$0x3FB5] =	sst s7  }
0x10: {  	[smem:$0x3FB6] =	sst s8  }
0x11: {  	[smem:$0x3FB7] =	sst s9;
	s0 =	simm.s32 @!p0 $0x0  }
0x12: {  	s1 =	sld [smem:$0x3F9D];
	s0 =	simm.s32 @p0 $0x1  }
0x13: {  	[smem:$0x3FB8] =	sst s0;
	s0 =	simm.s32 @!p1 $0x0  }
0x14: {  	s2 =	sld [smem:$0x3F9C];
	s0 =	simm.s32 @p1 $0x1  }
0x15: {  	[smem:$0x3FB9] =	sst s0;
	s0 =	simm.s32 @!p2 $0x0  }
0x16: {  	s3 =	sld [smem:$0x3FDB];
	s0 =	simm.s32 @p2 $0x1  }
0x17: {  	s4 =	simm.s32 $0x1BF5;
	[smem:$0x3FBB] =	sst s0  }
0x18: {  	s0 =	sld [smem:$0x3F9E];
	_ =	swait.ge [sflag:s4], $0x0  }
0x19: {  	s7 =	sld [smem:$0x3F9F]  }
0x1a: {  	s8 =	sadd.s32 $0xFFFFE003, lr  }
0x1b: {  	s9 =	sadd.s32 $0xFFFFFEF7, lr;
	s5 =	simm.s32 $0xFFFFFFFF;
	p2 =	slt.u32 s8, $0xFFFFF086  }
0x1c: {  	p1 =	slt.u32 s9, $0xF7A;
	s5 =	simm.s32 @!p2 $0x0  }
0x1d: {  	s5 =	simm.s32 @p1 $0x1;
	p0 =	seq.s32 s7, s2  }
0x1e: {  	s7 =	smul.u32 @!p0 $0xF7A, s2;
	p2 =	seq.s32 @!p0 s5, $0x0  }
0x1f: {  	s9 =	smul.u32 $0xF7A, s1;
	s8 =	simm.s32 @!p0 $0x1BF5;
	p2 =	por !p2, p0  }
0x20: {  	[sflag:s8] =	ssyncset.s32 @!p0 $0xFFFFF086;
	s6 =	sadd.s32 @!p0 s3, s7;
	s7 =	simm.s32 @!p0 $0x108  }
0x21: {  	s3 =	sadd.s32 s3, s9;
	s6 =	sadd.s32 @!p0 $0x88, s6;
	s7 =	simm.s32 @p2 $0x1082  }
0x22: {  	[simem:s7], [sflag:s8] =	dma.local @!p0 [hbm:s6], $0xF7A  }
0x23: {  	s9 =	sor.u32 $0xD0000000, s2;
	s6 =	simm.s32 $0x108;
	_ =	swait.ge @!p0 [sflag:s8], $0x0  }
0x24: {  	s3 =	sadd.s32 $0x88, s3;
	s6 =	simm.s32 @!p1 $0x1082;
	[sflag:s4] =	ssyncset.s32 $0xFFFFF086  }
0x25: {  	[simem:s6], [sflag:s4] =	dma.local [hbm:s3], $0xF7A  }
0x26: {  	[smem:$0x3F9F] =	sst s1;
	(tag) =	ssettag s2;
	_ =	strace s9  }
0x27: {  	s1 =	sld [smem:$0x3FAF]  }
0x28: {  	s2 =	sld [smem:$0x3FB0]  }
0x29: {  	s4 =	sld [smem:$0x3FB2]  }
0x2a: {  	p0 =	seq.s32 s5, $0x0;
	s5 =	sld [smem:$0x3FB3]  }
0x2b: {  	s6 =	sld [smem:$0x3FB4]  }
0x2c: {  	s7 =	sld [smem:$0x3FB5]  }
0x2d: {  	s3 =	simm.s32 $0x108;
	s8 =	sld [smem:$0x3FB6]  }
0x2e: {  	s3 =	simm.s32 @!p0 $0x1082;
	s9 =	sld [smem:$0x3FB7]  }
0x2f: {  	lr =	sadd.s32 s0, s3;
	s0 =	sld [smem:$0x3FAE]  }
0x30: {  	s3 =	sld [smem:$0x3FB1]  }
0x31: {  	[smem:$0x3FBA] =	sst s10  }
0x32: {  	s10 =	sld [smem:$0x3FB8];
	_ =	sdelay $0x3  }
0x33: {  	p0 =	seq.s32 s10, $0x1;
	s10 =	sld [smem:$0x3FBA];
	_ =	sdelay $0x3  }
0x34: {  	[smem:$0x3FBA] =	sst s10  }
0x35: {  	s10 =	sld [smem:$0x3FB9];
	_ =	sdelay $0x3  }
0x36: {  	p1 =	seq.s32 s10, $0x1;
	s10 =	sld [smem:$0x3FBA];
	_ =	sdelay $0x3  }
0x37: {  	[smem:$0x3FBA] =	sst s10  }
0x38: {  	s10 =	sld [smem:$0x3FBB]  }
0x39: {  	_ = 	snop;
	(pc) =	sbr.ind lr, $3  }
0x3a: {  	_ = 	snop  }
0x3b: {  	_ = 	snop  }
0x3c: {  	p2 =	seq.s32 s10, $0x1;
	s10 =	sld [smem:$0x3FBA]  }
0x3d: {  	_ =	shalt  }
0x3e: {  	_ =	shalt  }
0x3f: {  	_ =	shalt  }
0x40: {  	_ =	shalt  }
0x41: {  	_ =	shalt  }
0x42: {  	_ =	shalt  }
0x43: {  	_ =	shalt  }
0x44: {  	_ =	shalt  }
0x45: {  	_ =	shalt  }
0x46: {  	_ =	shalt  }
0x47: {  	_ =	shalt  }
0x48: {  	_ =	shalt  }
0x49: {  	_ =	shalt  }
0x4a: {  	_ =	shalt  }
0x4b: {  	_ =	shalt  }
0x4c: {  	_ =	shalt  }
0x4d: {  	_ =	shalt  }
0x4e: {  	_ =	shalt  }
0x4f: {  	_ =	shalt  }
0x50: {  	_ =	shalt  }
0x51: {  	_ =	shalt  }
0x52: {  	_ =	shalt  }
0x53: {  	_ =	shalt  }
0x54: {  	_ =	shalt  }
0x55: {  	_ =	shalt  }
0x56: {  	_ =	shalt  }
0x57: {  	_ =	shalt  }
0x58: {  	_ =	shalt  }
0x59: {  	_ =	shalt  }
0x5a: {  	_ =	shalt  }
0x5b: {  	_ =	shalt  }
0x5c: {  	_ =	shalt  }
0x5d: {  	_ =	shalt  }
0x5e: {  	_ =	shalt  }
0x5f: {  	_ =	shalt  }
0x60: {  	_ =	shalt  }
0x61: {  	_ =	shalt  }
0x62: {  	_ =	shalt  }
0x63: {  	_ =	shalt  }
0x64: {  	_ =	shalt  }
0x65: {  	_ =	shalt  }
0x66: {  	_ =	shalt  }
0x67: {  	_ =	shalt  }
0x68: {  	_ =	shalt  }
0x69: {  	_ =	shalt  }
0x6a: {  	_ =	shalt  }
0x6b: {  	_ =	shalt  }
0x6c: {  	_ =	shalt  }
0x6d: {  	_ =	shalt  }
0x6e: {  	_ =	shalt  }
0x6f: {  	_ =	shalt  }
0x70: {  	_ =	shalt  }
0x71: {  	_ =	shalt  }
0x72: {  	_ =	shalt  }
0x73: {  	_ =	shalt  }
0x74: {  	_ =	shalt  }
0x75: {  	_ =	shalt  }
0x76: {  	_ =	shalt  }
0x77: {  	_ =	shalt  }
0x78: {  	_ =	shalt  }
0x79: {  	_ =	shalt  }
0x7a: {  	_ =	shalt  }
0x7b: {  	_ =	shalt  }
0x7c: {  	_ =	shalt  }
0x7d: {  	_ =	shalt  }
0x7e: {  	_ =	shalt  }
0x7f: {  	_ =	shalt  }
0x80: {  	_ =	shalt  }
0x81: {  	_ =	shalt  }
0x82: {  	_ =	shalt  }
0x83: {  	_ =	shalt  }
0x84: {  	_ =	shalt  }
0x85: {  	_ =	shalt  }
0x86: {  	_ =	shalt  }
0x87: {  	_ =	shalt  }
.Lfunc_end0:
.L_simem_size_0:
called_computation_lowered:
.L_overlay_start_0:
0x88: {  	s2 =	sld [smem:$0x3FD9]  }
0x89: {  	s3 =	sld [smem:$0x3FFE];
	_ =	sdelay $0x1  }
0x8a: {  	s1 =	srdreg.scid  }
0x8b: {  	s0 =	sand.u32 $0x1, s1  }
0x8c: {  	s18 =	sshll.u32 s0, $0xA;
	s2 =	sadd.s32 s3, s2  }
0x8d: {  	s2 =	sadd.s32 s2, s18  }
0x8e: {  	[smem:$0x3FC6] =	sst s2  }
0x8f: {  	_ = 	snop  }
0x90: {  	s2 =	sld [smem:$0x3FC9]  }
0x91: {  	s19 =	sld [smem:$0x3FC8]  }
0x92: {  	s4 =	sld [smem:$0x3FD0];
	(tm) =	ssettm $0x1  }
0x93: {  	s5 =	sld [smem:$0x3FFB];
	_ =	sdelay $0x3  }
0x94: {  	_ =	strace s5  }
0x95: {  	s5 =	sld [smem:$0x3FFC];
	_ =	sdelay $0x3  }
0x96: {  	_ =	strace s5  }
0x97: {  	s5 =	sld [smem:$0x3FFD];
	_ =	sdelay $0x3  }
0x98: {  	_ =	strace s5  }
0x99: {  	_ =	strace $0x8FFFFFFF  }
0x9a: {  	s20 =	sld [smem:$0x3FDB];
	_ =	sdelay $0x1  }
0x9b: {  	s6 =	simm.s32 $_scs_section_size  }
0x9c: {  	s7 =	simm.s32 $_size__tile_overlayer_lowered;
	s8 =	simm.s32 $_tile_overlayer_lowered  }
0x9d: {  	s23 =	simm.s32 $0x1BFF;
	s22 =	sshll.u32 s8, $0x1;
	s5 =	sadd.s32 s6, s20  }
0x9e: {  	s9 =	simm.s32 $0x0;
	s21 =	sshll.u32 s7, $0x1;
	s7 =	sadd.s32 s22, s5  }
0x9f: {  	[timem:s9], [sflag:s23] =	dma.local [hbm:s7], s21  }
0xa0: {  	_ =	swait.ge [sflag:s23], s21  }
0xa1: {  	s6 =	ssub.s32 $0x0, s21;
	[sflag:s23] =	ssyncset.done $0x0  }
0xa2: {  	[sflag:s23] =	ssyncadd.s32 s6;
	_ =	sdelay $0x1  }
0xa3: {  	s24 =	simm.s32 $0x1B8B  }
0xa4: {  	_ =	swait.ge [sflag:s24], $0x1  }
0xa5: {  	[sflag:s24] =	ssyncset.done $0x0  }
0xa6: {  	s25 =	simm.s32 $0x1B8E;
	[sflag:s24] =	ssyncadd.s32 $0xFFFFFFFF  }
0xa7: {  	s26 =	simm.s32 $execute0_lowered;
	[smem:$0x3FD2] =	sst s25  }
0xa8: {  	s6 =	sshll.u32 s26, $0x1;
	_ =	strace $0x80000046;
	[dreg:$0x1] =	wrdreg $0xFFFFFFFF  }
0xa9: {  	s28 =	simm.s32 $_size_execute0_lowered;
	s5 =	sadd.s32 s5, s6;
	[dreg:$0x0] =	wrdreg $0x0  }
0xaa: {  	s6 =	sshll.u32 s28, $0x1;
	[dreg:$0x2] =	wrdreg s5  }
0xab: {  	[dreg:$0x3] =	wrdreg s6  }
0xac: {  	[dreg:$0x4] =	wrdreg $0xC0  }
0xad: {  	_ =	task [dreg:s9], $0x5FFFF  }
0xae: {  	[dreg:$0x1] =	wrdreg $0xFFFFFFFF  }
0xaf: {  	[dreg:$0x0] =	wrdreg $0x60  }
0xb0: {  	[dreg:$0x2] =	wrdreg s2  }
0xb1: {  	[dreg:$0x3] =	wrdreg s19  }
0xb2: {  	[dreg:$0x4] =	wrdreg s4  }
0xb3: {  	[dreg:$0x5] =	wrdreg $0x9  }
0xb4: {  	_ =	task.clear_ibuf [dreg:s9], $0x6FFFF;
	_ =	strace $0x90000046  }
0xb5: {  	s29 =	simm.s32 $0x9;
	_ =	strace $0x80000048  }
0xb6: {  	_ =	swait.ge [sflag:s29], $0x1  }
0xb7: {  	[sflag:s29] =	ssyncadd.s32 $0xFFFFFFFF  }
0xb8: {  	_ =	strace $0x90000048  }
0xb9: {  	_ =	sfence  }
0xba: {  	s30 =	sld [smem:$0x0];
	_ =	sdelay $0x2  }
0xbb: {  	s31 =	sshll.u32 s1, $0xD;
	s1 =	sshrl.u32 s1, $0x2  }
0xbc: {  	s3 =	sand.u32 $0x4000, s31;
	s1 =	sadd.s32 s1, s30  }
0xbd: {  	s0 =	sor.u32 s3, s0;
	s1 =	sshll.u32 s1, $0x11  }
0xbe: {  	s0 =	sor.u32 s1, s0  }
0xbf: {  	s0 =	sadd.s32 $0x8F2B, s0  }
0xc0: {  	[sflag:s0] =	ssyncadd.remote.s32 $0x1  }
0xc1: {  	_ =	sfence.sel $0xFFFF  }
0xc2: {  	[dreg:$0x0] =	wrdreg $0xFFFFFFFF;
	(pc) =	sbr.abs _section_cstart, $3  }
0xc3: {  	[dreg:$0x1] =	wrdreg $0xFFFFFFFF  }
0xc4: {  	_ =	task.clear_ibuf [dreg:s9], $0x2FFFF;
	_ =	strace $0x9FFFFFFF  }
0xc5: {  	(tm) =	ssettm $0x7FFFFFFF  }
tec
execute0_lowered:
.L_overlay_start_1:
0x0: {  	(tag) =	ssettag $0x1  }
0x1: {  	s0 =	rddreg [dreg:$0x1]  }
0x2: {  	s1 =	rddreg [dreg:$0x2];
	s2 =	simm.s32 $0x0  }
0x3: {  	s24 =	srdreg.scid;
	s4 =	stileid.u32;
	s15 =	simm.s32 $0x80  }
0x4: {  	s16 =	simm.s32 $0x400;
	s17 =	simm.s32 $0x4000;
	s18 =	simm.s32 $0x1  }
0x5: {  	s19 =	simm.s32 $0x2;
	s20 =	simm.s32 $0x1C700;
	s21 =	simm.s32 $0x1D700  }
0x6: {  	s22 =	simm.s32 $0x3;
	s23 =	simm.s32 $0x4;
	[smem:$0x7FF] =	sst s2  }
0x7: {  	s2 =	sand.u32 $0x1, s24;
	s3 =	sshll.u32 s4, $0x9;
	s4 =	sshrl.u32 s4, $0x1  }
0x8: {  	s26 =	sadd.s32 $0x1000, s1;
	s28 =	sadd.s32 $0x2000, s1;
	s13 =	sadd.s32 $0x3000, s1  }
0x9: {  	s5 =	sshll.u32 s2, $0x8;
	s3 =	sand.u32 $0x200, s3;
	s6 =	smul.u32 $0xC3800, s4  }
0xa: {  	s24 =	simm.s32 $0x0;
	_ =	strace $0x80000047;
	s3 =	sor.u32 s5, s3  }
0xb: {  	s4 =	sshll.u32 s4, $0x11;
	s2 =	ssub.s32 $0x2, s2;
	s5 =	sor.u32 s6, s3  }
0xc: {  	s8 =	sshrl.u32 s2, $0x1;
	s7 =	sor.u32 s4, s3;
	s5 =	sshrl.u32 s5, $0x3  }
0xd: {  	s2 =	ssub.s32 s2, s8;
	s7 =	sshrl.u32 s7, $0x3;
	s5 =	sadd.s32 s0, s5  }
0xe: {  	s3 =	sor.u32 $0x80, s3;
	s25 =	sadd.s32 s1, s7;
	[dreg:$0x4] =	wrdreg s5  }
0xf: {  	s6 =	sor.u32 s6, s3;
	s9 =	sadd.s32 s7, s26;
	[dreg:$0x5] =	wrdreg s25  }
0x10: {  	s3 =	sor.u32 s4, s3;
	s29 =	sadd.s32 s7, s28;
	[dreg:$0x6] =	wrdreg s9  }
0x11: {  	s14 =	smax.u32 s2, $0x1;
	s30 =	sadd.s32 s7, s13;
	[dreg:$0x7] =	wrdreg s29  }
0x12: {  	s6 =	sshrl.u32 s6, $0x3;
	s31 =	sshrl.u32 s3, $0x3;
	[dreg:$0x8] =	wrdreg s30  }
0x13: {  	s0 =	sadd.s32 s0, s6;
	s10 =	sadd.s32 s1, s31;
	s11 =	sadd.s32 s31, s26  }
0x14: {  	s12 =	sadd.s32 s31, s28;
	s13 =	sadd.s32 s31, s13;
	[dreg:$0x9] =	wrdreg s0  }
.LBB2_1:
0x15: {  	s0 =	rddreg [dreg:$0x0];
	s1 =	simm.s32 $0x0  }
0x16: {  	[tilespmem:s1], [sflag:$0x2] =	stream.linear.gather [hbm4b:s0+s1], $0x4000, $0x38;
	[tilespmem:$0x1E700] =	vst v63  }
0x17: {  	s31 =	rddreg [dreg:$0x4]  }
0x18: {  	[tilespmem:s17], [sflag:$0x1] =	stream.strided.gather [hbm4b:s31+s15], $0x18700, s16, s15, $0x38;
	[tilespmem:$0x1E700] =	vst v63  }
0x19: {  	_ =	swait.ge [sflag:s18], $0x18700  }
0x1a: {  	[sflag:s18] =	ssyncset.done $0x0  }
0x1b: {  	[sflag:s18] =	ssyncadd.s32 $0xFFFE7900  }
0x1c: {  	_ =	swait.ge [sflag:s19], $0x4000  }
0x1d: {  	[sflag:s19] =	ssyncset.done $0x0  }
0x1e: {  	s3 =	simm.s32 $0x20;
	[sflag:s19] =	ssyncadd.s32 $0xFFFFC000  }
0x1f: {  	v0 =	vld [tilespmem:s3+$0xFFFFFFE0];
	_ =	sdelay $0x7  }
0x20: {  	s6 =	simm.s32 $0x60;
	v0 =	vld.idx.msk [tilespmem:v0+s17+$0x0], $0xffff  }
0x21: {  	v1 =	vld [tilespmem:s6+$0xFFFFFFE0];
	_ =	sdelay $0x2  }
0x22: {  	s25 =	simm.s32 $0x1C720  }
0x23: {  	[tilespmem:s25+$0xFFFFFFE0] =	vst v0  }
0x24: {  	v0 =	vld [tilespmem:s3+$0xFFFFFFF0];
	_ =	sdelay $0x2  }
0x25: {  	s2 =	simm.s32 $0xA0;
	v1 =	vld.idx.msk [tilespmem:v1+s17+$0x0], $0xffff  }
0x26: {  	v2 =	vld [tilespmem:s2+$0xFFFFFFE0];
	_ =	sdelay $0x2  }
0x27: {  	s0 =	simm.s32 $0x1C760  }
0x28: {  	[tilespmem:s0+$0xFFFFFFE0] =	vst v1;
	v0 =	vld.idx.msk [tilespmem:v0+s17+$0x0], $0xffff  }
0x29: {  	v1 =	vld [tilespmem:s6+$0xFFFFFFF0]  }
0x2a: {  	s29 =	simm.s32 $0xE0  }
0x2b: {  	v3 =	vld [tilespmem:s29+$0xFFFFFFE0]  }
0x2c: {  	v2 =	vld.idx.msk [tilespmem:v2+s17+$0x0], $0xffff  }
0x2d: {  	[tilespmem:s25+$0xFFFFFFF0] =	vst v0  }
0x2e: {  	v0 =	vld [tilespmem:s3+$0x0]  }
0x2f: {  	s1 =	simm.s32 $0x120  }
0x30: {  	s26 =	simm.s32 $0x1C7A0;
	v4 =	vld [tilespmem:s1+$0xFFFFFFE0]  }
0x31: {  	[tilespmem:s26+$0xFFFFFFE0] =	vst v2;
	v1 =	vld.idx.msk [tilespmem:v1+s17+$0x0], $0xffff  }
0x32: {  	v2 =	vld [tilespmem:s2+$0xFFFFFFF0]  }
0x33: {  	v3 =	vld.idx.msk [tilespmem:v3+s17+$0x0], $0xffff;
	_ =	sdelay $0x2  }
0x34: {  	[tilespmem:s0+$0xFFFFFFF0] =	vst v1;
	v0 =	vld.idx.msk [tilespmem:v0+s17+$0x0], $0xffff  }
0x35: {  	s28 =	simm.s32 $0x1C7E0;
	s4 =	simm.s32 $0x160;
	v1 =	vld [tilespmem:s6+$0x0]  }
0x36: {  	v6 =	vld [tilespmem:s4+$0xFFFFFFE0];
	[tilespmem:s28+$0xFFFFFFE0] =	vst v3  }
0x37: {  	v3 =	vld [tilespmem:s29+$0xFFFFFFF0]  }
0x38: {  	v2 =	vld.idx.msk [tilespmem:v2+s17+$0x0], $0xffff  }
0x39: {  	v4 =	vld.idx.msk [tilespmem:v4+s17+$0x0], $0xffff;
	[tilespmem:s25+$0x0] =	vst v0  }
0x3a: {  	v0 =	vld [tilespmem:s3+$0x10]  }
0x3b: {  	s5 =	simm.s32 $0x1A0  }
0x3c: {  	v5 =	vld [tilespmem:s5+$0xFFFFFFE0]  }
0x3d: {  	[tilespmem:s26+$0xFFFFFFF0] =	vst v2;
	v1 =	vld.idx.msk [tilespmem:v1+s17+$0x0], $0xffff  }
0x3e: {  	v7 =	vld [tilespmem:s2+$0x0];
	s3 =	simm.s32 $0x1C820  }
0x3f: {  	v3 =	vld.idx.msk [tilespmem:v3+s17+$0x0], $0xffff;
	[tilespmem:s3+$0xFFFFFFE0] =	vst v4  }
0x40: {  	v2 =	vld [tilespmem:s1+$0xFFFFFFF0]  }
0x41: {  	v6 =	vld.idx.msk [tilespmem:v6+s17+$0x0], $0xffff  }
0x42: {  	[tilespmem:s0+$0x0] =	vst v1;
	v1 =	vld.idx.msk [tilespmem:v0+s17+$0x0], $0xffff  }
0x43: {  	v0 =	vld [tilespmem:s6+$0x10]  }
0x44: {  	[tilespmem:s28+$0xFFFFFFF0] =	vst v3  }
0x45: {  	v3 =	vld [tilespmem:s29+$0x0]  }
0x46: {  	s7 =	simm.s32 $0x1E0;
	s30 =	simm.s32 $0x1C860;
	v4 =	vld.idx.msk [tilespmem:v7+s17+$0x0], $0xffff;
	s6 =	simm.s32 $0x180  }
.LBB2_2:
0x47: {  	v7 =	vld [tilespmem:s7+$0xFFFFFFE0];
	[tilespmem:s30+$0xFFFFFFE0] =	vst v6  }
0x48: {  	v8 =	vld.idx.msk [tilespmem:v2+s17+$0x0], $0xffff;
	[tilespmem:s25+$0x10] =	vst v1;
	s25 =	smov.u32 s0;
	s0 =	smov.u32 s26;
	s26 =	smov.u32 s28  }
0x49: {  	s6 =	sadd.s32 $0x40, s6;
	s28 =	smov.u32 s3;
	s3 =	smov.u32 s30;
	v2 =	vld [tilespmem:s4+$0xFFFFFFF0]  }
0x4a: {  	p0 =	slt.u32 s6, $0xFC0;
	v6 =	vld.idx.msk [tilespmem:v5+s17+$0x0], $0xffff  }
.Ltmp0:
0x4b: {  	[tilespmem:s0+$0x0] =	vst v4;
	v1 =	vld.idx.msk [tilespmem:v0+s17+$0x0], $0xffff;
	(pc) =	sbr.rel @p0 .LBB2_2-.Ltmp0, $4  }
0x4c: {  	v0 =	vld [tilespmem:s2+$0x10];
	v5 =	vmov v7;
	s2 =	smov.u32 s29;
	s29 =	smov.u32 s1  }
0x4d: {  	s1 =	smov.u32 s4;
	s4 =	smov.u32 s5  }
0x4e: {  	s5 =	smov.u32 s7;
	[tilespmem:s28+$0xFFFFFFF0] =	vst v8;
	v4 =	vld.idx.msk [tilespmem:v3+s17+$0x0], $0xffff  }
0x4f: {  	s30 =	sadd.s32 $0x40, s30;
	s7 =	sadd.s32 $0x40, s7;
	v3 =	vld [tilespmem:s29+$0x0]  }
0x50: {  	_ =	sdelay $0x3  }
0x51: {  	v5 =	vld.idx.msk [tilespmem:v5+s17+$0x0], $0xffff;
	_ =	sdelay $0x3  }
0x52: {  	[tilespmem:s30+$0xFFFFFFE0] =	vst v6;
	s6 =	sadd.s32 $0x40, s30  }
0x53: {  	v6 =	vld [tilespmem:s4+$0xFFFFFFF0];
	[tilespmem:s6+$0xFFFFFFE0] =	vst v5  }
0x54: {  	v5 =	vld [tilespmem:s5+$0xFFFFFFF0];
	_ =	sdelay $0x5  }
0x55: {  	v2 =	vld.idx.msk [tilespmem:v2+s17+$0x0], $0xffff  }
0x56: {  	v6 =	vld.idx.msk [tilespmem:v6+s17+$0x0], $0xffff  }
0x57: {  	v5 =	vld.idx.msk [tilespmem:v5+s17+$0x0], $0xffff;
	_ =	sdelay $0x2  }
0x58: {  	[tilespmem:s3+$0xFFFFFFF0] =	vst v2  }
0x59: {  	v2 =	vld [tilespmem:s1+$0x0];
	[tilespmem:s30+$0xFFFFFFF0] =	vst v6  }
0x5a: {  	v6 =	vld [tilespmem:s4+$0x0];
	[tilespmem:s6+$0xFFFFFFF0] =	vst v5  }
0x5b: {  	v5 =	vld [tilespmem:s5+$0x0];
	_ =	sdelay $0x4  }
0x5c: {  	v3 =	vld.idx.msk [tilespmem:v3+s17+$0x0], $0xffff  }
0x5d: {  	v2 =	vld.idx.msk [tilespmem:v2+s17+$0x0], $0xffff  }
0x5e: {  	v6 =	vld.idx.msk [tilespmem:v6+s17+$0x0], $0xffff  }
0x5f: {  	v5 =	vld.idx.msk [tilespmem:v5+s17+$0x0], $0xffff  }
0x60: {  	[tilespmem:s26+$0x0] =	vst v4  }
0x61: {  	v4 =	vld [tilespmem:s2+$0x10];
	[tilespmem:s28+$0x0] =	vst v3  }
0x62: {  	v3 =	vld [tilespmem:s29+$0x10];
	[tilespmem:s3+$0x0] =	vst v2  }
0x63: {  	v2 =	vld [tilespmem:s1+$0x10];
	[tilespmem:s30+$0x0] =	vst v6  }
0x64: {  	v6 =	vld [tilespmem:s4+$0x10];
	[tilespmem:s6+$0x0] =	vst v5  }
0x65: {  	v5 =	vld [tilespmem:s5+$0x10];
	_ =	sdelay $0x2  }
0x66: {  	v0 =	vld.idx.msk [tilespmem:v0+s17+$0x0], $0xffff  }
0x67: {  	v4 =	vld.idx.msk [tilespmem:v4+s17+$0x0], $0xffff  }
0x68: {  	v3 =	vld.idx.msk [tilespmem:v3+s17+$0x0], $0xffff  }
0x69: {  	v2 =	vld.idx.msk [tilespmem:v2+s17+$0x0], $0xffff  }
0x6a: {  	[tilespmem:s25+$0x10] =	vst v1;
	v1 =	vld.idx.msk [tilespmem:v6+s17+$0x0], $0xffff  }
0x6b: {  	[tilespmem:s0+$0x10] =	vst v0;
	v0 =	vld.idx.msk [tilespmem:v5+s17+$0x0], $0xffff  }
0x6c: {  	[tilespmem:s26+$0x10] =	vst v4  }
0x6d: {  	[tilespmem:s28+$0x10] =	vst v3  }
0x6e: {  	[tilespmem:s3+$0x10] =	vst v2  }
0x6f: {  	[tilespmem:s30+$0x10] =	vst v1  }
0x70: {  	[tilespmem:s6+$0x10] =	vst v0  }
0x71: {  	s2 =	simm.s32 $0x0;
	s0 =	rddreg [dreg:$0x5]  }
0x72: {  	[hbm4b:s0+s15] =	stream.strided.scatter [tilespmem:s20], [sflag:$0x3], $0x1000, s16, s15, $0x38;
	[tilespmem:$0x1E700] =	vst v63  }
0x73: {  	s0 =	sand.u32 $0xFC0, s2  }
0x74: {  	v0 =	vld [tilespmem:s0+$0x1000];
	_ =	sdelay $0x2  }
0x75: {  	s3 =	simm.s32 $0x40  }
0x76: {  	s0 =	sand.u32 $0xFC0, s3  }
0x77: {  	v1 =	vld [tilespmem:s0+$0x1000];
	_ =	sdelay $0x2  }
0x78: {  	s4 =	simm.s32 $0x80;
	v0 =	vld.idx.msk [tilespmem:v0+s17+$0x0], $0xffff  }
0x79: {  	s0 =	sand.u32 $0xFC0, s4  }
0x7a: {  	v2 =	vld [tilespmem:s0+$0x1000];
	_ =	sdelay $0x1  }
0x7b: {  	s25 =	simm.s32 $0x1D720  }
0x7c: {  	s8 =	simm.s32 $0xC0;
	s5 =	simm.s32 $0x1030;
	v1 =	vld.idx.msk [tilespmem:v1+s17+$0x0], $0xffff;
	[tilespmem:s25+$0xFFFFFFE0] =	vst v0  }
0x7d: {  	s0 =	sand.u32 $0xFC0, s8;
	v0 =	vld [tilespmem:s5+$0xFFFFFFE0]  }
0x7e: {  	v3 =	vld [tilespmem:s0+$0x1000];
	_ =	sdelay $0x1  }
0x7f: {  	s26 =	simm.s32 $0x1D760  }
0x80: {  	s9 =	simm.s32 $0x1070;
	[tilespmem:s26+$0xFFFFFFE0] =	vst v1;
	v1 =	vld.idx.msk [tilespmem:v2+s17+$0x0], $0xffff  }
0x81: {  	s1 =	simm.s32 $0x100;
	v2 =	vld [tilespmem:s9+$0xFFFFFFE0]  }
0x82: {  	s0 =	sand.u32 $0xFC0, s1  }
0x83: {  	v4 =	vld [tilespmem:s0+$0x1000]  }
0x84: {  	s28 =	simm.s32 $0x1D7A0;
	v0 =	vld.idx.msk [tilespmem:v0+s17+$0x0], $0xffff  }
0x85: {  	s1 =	simm.s32 $0x10B0;
	v3 =	vld.idx.msk [tilespmem:v3+s17+$0x0], $0xffff;
	[tilespmem:s28+$0xFFFFFFE0] =	vst v1  }
0x86: {  	v1 =	vld [tilespmem:s1+$0xFFFFFFE0];
	_ =	sdelay $0x2  }
0x87: {  	v2 =	vld.idx.msk [tilespmem:v2+s17+$0x0], $0xffff;
	[tilespmem:s25+$0xFFFFFFF0] =	vst v0  }
0x88: {  	s29 =	simm.s32 $0x1D7E0;
	s2 =	simm.s32 $0x140;
	v0 =	vld [tilespmem:s5+$0xFFFFFFF0]  }
0x89: {  	s0 =	sand.u32 $0xFC0, s2;
	[tilespmem:s29+$0xFFFFFFE0] =	vst v3;
	v3 =	vld.idx.msk [tilespmem:v4+s17+$0x0], $0xffff  }
0x8a: {  	v5 =	vld [tilespmem:s0+$0x1000];
	s0 =	simm.s32 $0x10F0  }
0x8b: {  	v4 =	vld [tilespmem:s0+$0xFFFFFFE0]  }
0x8c: {  	s4 =	simm.s32 $0x180;
	[tilespmem:s26+$0xFFFFFFF0] =	vst v2;
	v1 =	vld.idx.msk [tilespmem:v1+s17+$0x0], $0xffff  }
0x8d: {  	s30 =	simm.s32 $0x1D820;
	s6 =	sand.u32 $0xFC0, s4;
	v2 =	vld [tilespmem:s9+$0xFFFFFFF0]  }
0x8e: {  	v6 =	vld [tilespmem:s6+$0x1000];
	s2 =	simm.s32 $0x1130;
	[tilespmem:s30+$0xFFFFFFE0] =	vst v3  }
0x8f: {  	s7 =	simm.s32 $0x1C0;
	v3 =	vld [tilespmem:s2+$0xFFFFFFE0]  }
0x90: {  	s8 =	sand.u32 $0xFC0, s7;
	v0 =	vld.idx.msk [tilespmem:v0+s17+$0x0], $0xffff  }
0x91: {  	v9 =	vld [tilespmem:s8+$0x1000]  }
0x92: {  	v5 =	vld.idx.msk [tilespmem:v5+s17+$0x0], $0xffff;
	[tilespmem:s28+$0xFFFFFFF0] =	vst v1  }
0x93: {  	v7 =	vld [tilespmem:s1+$0xFFFFFFF0]  }
0x94: {  	v1 =	vld.idx.msk [tilespmem:v4+s17+$0x0], $0xffff  }
0x95: {  	v8 =	vld.idx.msk [tilespmem:v2+s17+$0x0], $0xffff;
	[tilespmem:s25+$0x0] =	vst v0  }
0x96: {  	s31 =	simm.s32 $0x1D860;
	v0 =	vld [tilespmem:s5+$0x0]  }
0x97: {  	[tilespmem:s31+$0xFFFFFFE0] =	vst v5;
	v5 =	vld.idx.msk [tilespmem:v6+s17+$0x0], $0xffff  }
0x98: {  	s4 =	simm.s32 $0x1170;
	v10 =	vld.idx.msk [tilespmem:v3+s17+$0x0], $0xffff  }
0x99: {  	v4 =	vld [tilespmem:s4+$0xFFFFFFE0];
	[tilespmem:s29+$0xFFFFFFF0] =	vst v1  }
0x9a: {  	v2 =	vld [tilespmem:s0+$0xFFFFFFF0]  }
0x9b: {  	s6 =	simm.s32 $0x200;
	[tilespmem:s26+$0x0] =	vst v8;
	v3 =	vld.idx.msk [tilespmem:v7+s17+$0x0], $0xffff  }
0x9c: {  	v1 =	vld [tilespmem:s9+$0x0];
	s9 =	sand.u32 $0xFC0, s6  }
0x9d: {  	s7 =	simm.s32 $0x1D8A0;
	v8 =	vld [tilespmem:s9+$0x1000]  }
0x9e: {  	s8 =	simm.s32 $0x11B0;
	[tilespmem:s7+$0xFFFFFFE0] =	vst v5;
	v0 =	vld.idx.msk [tilespmem:v0+s17+$0x0], $0xffff  }
0x9f: {  	v6 =	vld [tilespmem:s8+$0xFFFFFFE0];
	[tilespmem:s30+$0xFFFFFFF0] =	vst v10  }
0xa0: {  	v5 =	vld [tilespmem:s2+$0xFFFFFFF0]  }
0xa1: {  	s3 =	simm.s32 $0x1D8A0;
	v7 =	vld.idx.msk [tilespmem:v9+s17+$0x0], $0xffff;
	s5 =	simm.s32 $0x11B0  }
.LBB2_4:
0xa2: {  	s6 =	sadd.s32 $0x40, s6;
	v9 =	vld.idx.msk [tilespmem:v4+s17+$0x0], $0xffff;
	[tilespmem:s28+$0x0] =	vst v3  }
0xa3: {  	s9 =	sand.u32 $0xFC0, s6;
	p0 =	slt.u32 s6, $0xFC0;
	v10 =	vld [tilespmem:s1+$0x0];
	[tilespmem:s25+$0x10] =	vst v0;
	v11 =	vmov v8;
	s25 =	smov.u32 s26  }
0xa4: {  	s7 =	sadd.s32 $0x40, s7;
	s26 =	smov.u32 s28;
	s28 =	smov.u32 s29;
	v3 =	vld.idx.msk [tilespmem:v2+s17+$0x0], $0xffff;
	v4 =	vmov v6  }
.Ltmp1:
0xa5: {  	s8 =	sadd.s32 $0x40, s8;
	s29 =	smov.u32 s30;
	v0 =	vld.idx.msk [tilespmem:v1+s17+$0x0], $0xffff;
	(pc) =	sbr.rel @p0 .LBB2_4-.Ltmp1, $4  }
0xa6: {  	s30 =	smov.u32 s31;
	s31 =	smov.u32 s3;
	s3 =	smov.u32 s7;
	v8 =	vld [tilespmem:s9+$0x1000];
	[tilespmem:s7+$0xFFFFFFE0] =	vst v7;
	v2 =	vmov v5  }
0xa7: {  	s1 =	smov.u32 s0;
	s0 =	smov.u32 s2;
	s2 =	smov.u32 s4;
	v6 =	vld [tilespmem:s8+$0xFFFFFFE0]  }
0xa8: {  	s4 =	smov.u32 s5;
	s5 =	smov.u32 s8;
	v7 =	vld.idx.msk [tilespmem:v11+s17+$0x0], $0xffff;
	[tilespmem:s30+$0xFFFFFFF0] =	vst v9;
	v1 =	vmov v10  }
0xa9: {  	v5 =	vld [tilespmem:s2+$0xFFFFFFF0]  }
0xaa: {  	_ =	sdelay $0x4  }
0xab: {  	v8 =	vld.idx.msk [tilespmem:v8+s17+$0x0], $0xffff;
	_ =	sdelay $0x2  }
0xac: {  	s6 =	sadd.s32 $0x40, s7  }
0xad: {  	s7 =	sadd.s32 $0x40, s8;
	s8 =	sadd.s32 $0x40, s6;
	[tilespmem:s6+$0xFFFFFFE0] =	vst v7  }
0xae: {  	s9 =	sadd.s32 $0x40, s7;
	v7 =	vld [tilespmem:s7+$0xFFFFFFE0];
	[tilespmem:s8+$0xFFFFFFE0] =	vst v8  }
0xaf: {  	v8 =	vld [tilespmem:s9+$0xFFFFFFE0];
	_ =	sdelay $0x3  }
0xb0: {  	v4 =	vld.idx.msk [tilespmem:v4+s17+$0x0], $0xffff  }
0xb1: {  	v6 =	vld.idx.msk [tilespmem:v6+s17+$0x0], $0xffff;
	_ =	sdelay $0x1  }
0xb2: {  	v7 =	vld.idx.msk [tilespmem:v7+s17+$0x0], $0xffff  }
0xb3: {  	v8 =	vld.idx.msk [tilespmem:v8+s17+$0x0], $0xffff  }
0xb4: {  	[tilespmem:s31+$0xFFFFFFF0] =	vst v4  }
0xb5: {  	v4 =	vld [tilespmem:s4+$0xFFFFFFF0];
	[tilespmem:s3+$0xFFFFFFF0] =	vst v6  }
0xb6: {  	v6 =	vld [tilespmem:s5+$0xFFFFFFF0]  }
0xb7: {  	[tilespmem:s6+$0xFFFFFFF0] =	vst v7  }
0xb8: {  	v7 =	vld [tilespmem:s7+$0xFFFFFFF0];
	[tilespmem:s8+$0xFFFFFFF0] =	vst v8  }
0xb9: {  	v8 =	vld [tilespmem:s9+$0xFFFFFFF0]  }
0xba: {  	v2 =	vld.idx.msk [tilespmem:v2+s17+$0x0], $0xffff  }
0xbb: {  	v1 =	vld.idx.msk [tilespmem:v1+s17+$0x0], $0xffff  }
0xbc: {  	v5 =	vld.idx.msk [tilespmem:v5+s17+$0x0], $0xffff  }
0xbd: {  	v4 =	vld.idx.msk [tilespmem:v4+s17+$0x0], $0xffff  }
0xbe: {  	[tilespmem:s28+$0x0] =	vst v3;
	v6 =	vld.idx.msk [tilespmem:v6+s17+$0x0], $0xffff  }
0xbf: {  	v3 =	vld [tilespmem:s1+$0x0]  }
0xc0: {  	[tilespmem:s29+$0x0] =	vst v2;
	v7 =	vld.idx.msk [tilespmem:v7+s17+$0x0], $0xffff  }
0xc1: {  	[tilespmem:s30+$0x0] =	vst v5;
	v2 =	vld.idx.msk [tilespmem:v8+s17+$0x0], $0xffff  }
0xc2: {  	v5 =	vld [tilespmem:s2+$0x0];
	[tilespmem:s31+$0x0] =	vst v4  }
0xc3: {  	v4 =	vld [tilespmem:s4+$0x0];
	[tilespmem:s3+$0x0] =	vst v6  }
0xc4: {  	v6 =	vld [tilespmem:s5+$0x0]  }
0xc5: {  	v8 =	vld [tilespmem:s0+$0x0];
	[tilespmem:s6+$0x0] =	vst v7  }
0xc6: {  	v7 =	vld [tilespmem:s7+$0x0];
	[tilespmem:s8+$0x0] =	vst v2  }
0xc7: {  	v2 =	vld [tilespmem:s9+$0x0];
	_ =	sdelay $0x1  }
0xc8: {  	v3 =	vld.idx.msk [tilespmem:v3+s17+$0x0], $0xffff  }
0xc9: {  	v5 =	vld.idx.msk [tilespmem:v5+s17+$0x0], $0xffff  }
0xca: {  	[tilespmem:s25+$0x10] =	vst v0;
	v0 =	vld.idx.msk [tilespmem:v4+s17+$0x0], $0xffff  }
0xcb: {  	[tilespmem:s26+$0x10] =	vst v1;
	v1 =	vld.idx.msk [tilespmem:v6+s17+$0x0], $0xffff  }
0xcc: {  	v8 =	vld.idx.msk [tilespmem:v8+s17+$0x0], $0xffff  }
0xcd: {  	[tilespmem:s28+$0x10] =	vst v3;
	v3 =	vld.idx.msk [tilespmem:v7+s17+$0x0], $0xffff  }
0xce: {  	[tilespmem:s30+$0x10] =	vst v5;
	v2 =	vld.idx.msk [tilespmem:v2+s17+$0x0], $0xffff  }
0xcf: {  	[tilespmem:s31+$0x10] =	vst v0  }
0xd0: {  	[tilespmem:s3+$0x10] =	vst v1  }
0xd1: {  	[tilespmem:s29+$0x10] =	vst v8  }
0xd2: {  	[tilespmem:s6+$0x10] =	vst v3  }
0xd3: {  	[tilespmem:s8+$0x10] =	vst v2  }
0xd4: {  	s1 =	rddreg [dreg:$0x6]  }
0xd5: {  	[hbm4b:s1+s15] =	stream.strided.scatter [tilespmem:s21], [sflag:$0x4], $0x1000, s16, s15, $0x38;
	[tilespmem:$0x1E700] =	vst v63  }
0xd6: {  	_ =	swait.ge [sflag:s22], $0x1000  }
0xd7: {  	s2 =	simm.s32 $0x0;
	[sflag:s22] =	ssyncset.done $0x0  }
0xd8: {  	s0 =	sand.u32 $0xFC0, s2;
	[sflag:s22] =	ssyncadd.s32 $0xFFFFF000  }
0xd9: {  	v0 =	vld [tilespmem:s0+$0x2000];
	_ =	sdelay $0x2  }
0xda: {  	s3 =	simm.s32 $0x40  }
0xdb: {  	s0 =	sand.u32 $0xFC0, s3  }
0xdc: {  	v1 =	vld [tilespmem:s0+$0x2000];
	_ =	sdelay $0x2  }
0xdd: {  	s4 =	simm.s32 $0x80;
	v0 =	vld.idx.msk [tilespmem:v0+s17+$0x0], $0xffff  }
0xde: {  	s0 =	sand.u32 $0xFC0, s4  }
0xdf: {  	v2 =	vld [tilespmem:s0+$0x2000];
	_ =	sdelay $0x1  }
0xe0: {  	s25 =	simm.s32 $0x1C720  }
0xe1: {  	s5 =	simm.s32 $0x2030;
	s8 =	simm.s32 $0xC0;
	v1 =	vld.idx.msk [tilespmem:v1+s17+$0x0], $0xffff;
	[tilespmem:s25+$0xFFFFFFE0] =	vst v0  }
0xe2: {  	s0 =	sand.u32 $0xFC0, s8;
	v0 =	vld [tilespmem:s5+$0xFFFFFFE0]  }
0xe3: {  	v3 =	vld [tilespmem:s0+$0x2000];
	_ =	sdelay $0x1  }
0xe4: {  	s26 =	simm.s32 $0x1C760  }
0xe5: {  	s9 =	simm.s32 $0x2070;
	[tilespmem:s26+$0xFFFFFFE0] =	vst v1;
	v1 =	vld.idx.msk [tilespmem:v2+s17+$0x0], $0xffff  }
0xe6: {  	s1 =	simm.s32 $0x100;
	v2 =	vld [tilespmem:s9+$0xFFFFFFE0]  }
0xe7: {  	s0 =	sand.u32 $0xFC0, s1  }
0xe8: {  	v4 =	vld [tilespmem:s0+$0x2000]  }
0xe9: {  	s28 =	simm.s32 $0x1C7A0;
	v0 =	vld.idx.msk [tilespmem:v0+s17+$0x0], $0xffff  }
0xea: {  	s1 =	simm.s32 $0x20B0;
	v3 =	vld.idx.msk [tilespmem:v3+s17+$0x0], $0xffff;
	[tilespmem:s28+$0xFFFFFFE0] =	vst v1  }
0xeb: {  	v1 =	vld [tilespmem:s1+$0xFFFFFFE0];
	_ =	sdelay $0x2  }
0xec: {  	v2 =	vld.idx.msk [tilespmem:v2+s17+$0x0], $0xffff;
	[tilespmem:s25+$0xFFFFFFF0] =	vst v0  }
0xed: {  	s2 =	simm.s32 $0x140;
	s29 =	simm.s32 $0x1C7E0;
	v0 =	vld [tilespmem:s5+$0xFFFFFFF0]  }
0xee: {  	s0 =	sand.u32 $0xFC0, s2;
	[tilespmem:s29+$0xFFFFFFE0] =	vst v3;
	v3 =	vld.idx.msk [tilespmem:v4+s17+$0x0], $0xffff  }
0xef: {  	v5 =	vld [tilespmem:s0+$0x2000];
	s0 =	simm.s32 $0x20F0  }
0xf0: {  	v4 =	vld [tilespmem:s0+$0xFFFFFFE0]  }
0xf1: {  	s4 =	simm.s32 $0x180;
	[tilespmem:s26+$0xFFFFFFF0] =	vst v2;
	v1 =	vld.idx.msk [tilespmem:v1+s17+$0x0], $0xffff  }
0xf2: {  	s30 =	simm.s32 $0x1C820;
	s6 =	sand.u32 $0xFC0, s4;
	v2 =	vld [tilespmem:s9+$0xFFFFFFF0]  }
0xf3: {  	v6 =	vld [tilespmem:s6+$0x2000];
	s2 =	simm.s32 $0x2130;
	[tilespmem:s30+$0xFFFFFFE0] =	vst v3  }
0xf4: {  	s7 =	simm.s32 $0x1C0;
	v3 =	vld [tilespmem:s2+$0xFFFFFFE0]  }
0xf5: {  	s8 =	sand.u32 $0xFC0, s7;
	v0 =	vld.idx.msk [tilespmem:v0+s17+$0x0], $0xffff  }
0xf6: {  	v9 =	vld [tilespmem:s8+$0x2000]  }
0xf7: {  	v5 =	vld.idx.msk [tilespmem:v5+s17+$0x0], $0xffff;
	[tilespmem:s28+$0xFFFFFFF0] =	vst v1  }
0xf8: {  	v7 =	vld [tilespmem:s1+$0xFFFFFFF0]  }
0xf9: {  	v1 =	vld.idx.msk [tilespmem:v4+s17+$0x0], $0xffff  }
0xfa: {  	v8 =	vld.idx.msk [tilespmem:v2+s17+$0x0], $0xffff;
	[tilespmem:s25+$0x0] =	vst v0  }
0xfb: {  	s31 =	simm.s32 $0x1C860;
	v0 =	vld [tilespmem:s5+$0x0]  }
0xfc: {  	[tilespmem:s31+$0xFFFFFFE0] =	vst v5;
	v5 =	vld.idx.msk [tilespmem:v6+s17+$0x0], $0xffff  }
0xfd: {  	s4 =	simm.s32 $0x2170;
	v10 =	vld.idx.msk [tilespmem:v3+s17+$0x0], $0xffff  }
0xfe: {  	v4 =	vld [tilespmem:s4+$0xFFFFFFE0];
	[tilespmem:s29+$0xFFFFFFF0] =	vst v1  }
0xff: {  	v2 =	vld [tilespmem:s0+$0xFFFFFFF0]  }
0x100: {  	s6 =	simm.s32 $0x200;
	[tilespmem:s26+$0x0] =	vst v8;
	v3 =	vld.idx.msk [tilespmem:v7+s17+$0x0], $0xffff  }
0x101: {  	v1 =	vld [tilespmem:s9+$0x0];
	s9 =	sand.u32 $0xFC0, s6  }
0x102: {  	s7 =	simm.s32 $0x1C8A0;
	v8 =	vld [tilespmem:s9+$0x2000]  }
0x103: {  	s8 =	simm.s32 $0x21B0;
	[tilespmem:s7+$0xFFFFFFE0] =	vst v5;
	v0 =	vld.idx.msk [tilespmem:v0+s17+$0x0], $0xffff  }
0x104: {  	v6 =	vld [tilespmem:s8+$0xFFFFFFE0];
	[tilespmem:s30+$0xFFFFFFF0] =	vst v10  }
0x105: {  	v5 =	vld [tilespmem:s2+$0xFFFFFFF0]  }
0x106: {  	s3 =	simm.s32 $0x1C8A0;
	v7 =	vld.idx.msk [tilespmem:v9+s17+$0x0], $0xffff;
	s5 =	simm.s32 $0x21B0  }
.LBB2_6:
0x107: {  	s6 =	sadd.s32 $0x40, s6;
	v9 =	vld.idx.msk [tilespmem:v4+s17+$0x0], $0xffff;
	[tilespmem:s28+$0x0] =	vst v3  }
0x108: {  	s9 =	sand.u32 $0xFC0, s6;
	p0 =	slt.u32 s6, $0xFC0;
	v10 =	vld [tilespmem:s1+$0x0];
	[tilespmem:s25+$0x10] =	vst v0;
	v11 =	vmov v8;
	s25 =	smov.u32 s26  }
0x109: {  	s7 =	sadd.s32 $0x40, s7;
	s26 =	smov.u32 s28;
	s28 =	smov.u32 s29;
	v3 =	vld.idx.msk [tilespmem:v2+s17+$0x0], $0xffff;
	v4 =	vmov v6  }
.Ltmp2:
0x10a: {  	s8 =	sadd.s32 $0x40, s8;
	s29 =	smov.u32 s30;
	v0 =	vld.idx.msk [tilespmem:v1+s17+$0x0], $0xffff;
	(pc) =	sbr.rel @p0 .LBB2_6-.Ltmp2, $4  }
0x10b: {  	s30 =	smov.u32 s31;
	s31 =	smov.u32 s3;
	s3 =	smov.u32 s7;
	v8 =	vld [tilespmem:s9+$0x2000];
	[tilespmem:s7+$0xFFFFFFE0] =	vst v7;
	v2 =	vmov v5  }
0x10c: {  	s1 =	smov.u32 s0;
	s0 =	smov.u32 s2;
	s2 =	smov.u32 s4;
	v6 =	vld [tilespmem:s8+$0xFFFFFFE0]  }
0x10d: {  	s4 =	smov.u32 s5;
	s5 =	smov.u32 s8;
	v7 =	vld.idx.msk [tilespmem:v11+s17+$0x0], $0xffff;
	[tilespmem:s30+$0xFFFFFFF0] =	vst v9;
	v1 =	vmov v10  }
0x10e: {  	v5 =	vld [tilespmem:s2+$0xFFFFFFF0]  }
0x10f: {  	_ =	sdelay $0x4  }
0x110: {  	v8 =	vld.idx.msk [tilespmem:v8+s17+$0x0], $0xffff;
	_ =	sdelay $0x2  }
0x111: {  	s6 =	sadd.s32 $0x40, s7  }
0x112: {  	s7 =	sadd.s32 $0x40, s8;
	s8 =	sadd.s32 $0x40, s6;
	[tilespmem:s6+$0xFFFFFFE0] =	vst v7  }
0x113: {  	s9 =	sadd.s32 $0x40, s7;
	v7 =	vld [tilespmem:s7+$0xFFFFFFE0];
	[tilespmem:s8+$0xFFFFFFE0] =	vst v8  }
0x114: {  	v8 =	vld [tilespmem:s9+$0xFFFFFFE0];
	_ =	sdelay $0x3  }
0x115: {  	v4 =	vld.idx.msk [tilespmem:v4+s17+$0x0], $0xffff  }
0x116: {  	v6 =	vld.idx.msk [tilespmem:v6+s17+$0x0], $0xffff;
	_ =	sdelay $0x1  }
0x117: {  	v7 =	vld.idx.msk [tilespmem:v7+s17+$0x0], $0xffff  }
0x118: {  	v8 =	vld.idx.msk [tilespmem:v8+s17+$0x0], $0xffff  }
0x119: {  	[tilespmem:s31+$0xFFFFFFF0] =	vst v4  }
0x11a: {  	v4 =	vld [tilespmem:s4+$0xFFFFFFF0];
	[tilespmem:s3+$0xFFFFFFF0] =	vst v6  }
0x11b: {  	v6 =	vld [tilespmem:s5+$0xFFFFFFF0]  }
0x11c: {  	[tilespmem:s6+$0xFFFFFFF0] =	vst v7  }
0x11d: {  	v7 =	vld [tilespmem:s7+$0xFFFFFFF0];
	[tilespmem:s8+$0xFFFFFFF0] =	vst v8  }
0x11e: {  	v8 =	vld [tilespmem:s9+$0xFFFFFFF0]  }
0x11f: {  	v2 =	vld.idx.msk [tilespmem:v2+s17+$0x0], $0xffff  }
0x120: {  	v1 =	vld.idx.msk [tilespmem:v1+s17+$0x0], $0xffff  }
0x121: {  	v5 =	vld.idx.msk [tilespmem:v5+s17+$0x0], $0xffff  }
0x122: {  	v4 =	vld.idx.msk [tilespmem:v4+s17+$0x0], $0xffff  }
0x123: {  	[tilespmem:s28+$0x0] =	vst v3;
	v6 =	vld.idx.msk [tilespmem:v6+s17+$0x0], $0xffff  }
0x124: {  	v3 =	vld [tilespmem:s1+$0x0]  }
0x125: {  	[tilespmem:s29+$0x0] =	vst v2;
	v7 =	vld.idx.msk [tilespmem:v7+s17+$0x0], $0xffff  }
0x126: {  	[tilespmem:s30+$0x0] =	vst v5;
	v2 =	vld.idx.msk [tilespmem:v8+s17+$0x0], $0xffff  }
0x127: {  	v5 =	vld [tilespmem:s2+$0x0];
	[tilespmem:s31+$0x0] =	vst v4  }
0x128: {  	v4 =	vld [tilespmem:s4+$0x0];
	[tilespmem:s3+$0x0] =	vst v6  }
0x129: {  	v6 =	vld [tilespmem:s5+$0x0]  }
0x12a: {  	v8 =	vld [tilespmem:s0+$0x0];
	[tilespmem:s6+$0x0] =	vst v7  }
0x12b: {  	v7 =	vld [tilespmem:s7+$0x0];
	[tilespmem:s8+$0x0] =	vst v2  }
0x12c: {  	v2 =	vld [tilespmem:s9+$0x0];
	_ =	sdelay $0x1  }
0x12d: {  	v3 =	vld.idx.msk [tilespmem:v3+s17+$0x0], $0xffff  }
0x12e: {  	v5 =	vld.idx.msk [tilespmem:v5+s17+$0x0], $0xffff  }
0x12f: {  	[tilespmem:s25+$0x10] =	vst v0;
	v0 =	vld.idx.msk [tilespmem:v4+s17+$0x0], $0xffff  }
0x130: {  	[tilespmem:s26+$0x10] =	vst v1;
	v1 =	vld.idx.msk [tilespmem:v6+s17+$0x0], $0xffff  }
0x131: {  	v8 =	vld.idx.msk [tilespmem:v8+s17+$0x0], $0xffff  }
0x132: {  	[tilespmem:s28+$0x10] =	vst v3;
	v3 =	vld.idx.msk [tilespmem:v7+s17+$0x0], $0xffff  }
0x133: {  	[tilespmem:s30+$0x10] =	vst v5;
	v2 =	vld.idx.msk [tilespmem:v2+s17+$0x0], $0xffff  }
0x134: {  	[tilespmem:s31+$0x10] =	vst v0  }
0x135: {  	[tilespmem:s3+$0x10] =	vst v1  }
0x136: {  	[tilespmem:s29+$0x10] =	vst v8  }
0x137: {  	[tilespmem:s6+$0x10] =	vst v3  }
0x138: {  	[tilespmem:s8+$0x10] =	vst v2  }
0x139: {  	s1 =	rddreg [dreg:$0x7]  }
0x13a: {  	[hbm4b:s1+s15] =	stream.strided.scatter [tilespmem:s20], [sflag:$0x3], $0x1000, s16, s15, $0x38;
	[tilespmem:$0x1E700] =	vst v63  }
0x13b: {  	_ =	swait.ge [sflag:s23], $0x1000  }
0x13c: {  	s2 =	simm.s32 $0x0;
	[sflag:s23] =	ssyncset.done $0x0  }
0x13d: {  	s0 =	sand.u32 $0xFC0, s2;
	[sflag:s23] =	ssyncadd.s32 $0xFFFFF000  }
0x13e: {  	v0 =	vld [tilespmem:s0+$0x3000];
	_ =	sdelay $0x2  }
0x13f: {  	s3 =	simm.s32 $0x40  }
0x140: {  	s0 =	sand.u32 $0xFC0, s3  }
0x141: {  	v1 =	vld [tilespmem:s0+$0x3000];
	_ =	sdelay $0x2  }
0x142: {  	s4 =	simm.s32 $0x80;
	v0 =	vld.idx.msk [tilespmem:v0+s17+$0x0], $0xffff  }
0x143: {  	s0 =	sand.u32 $0xFC0, s4  }
0x144: {  	v2 =	vld [tilespmem:s0+$0x3000];
	_ =	sdelay $0x1  }
0x145: {  	s25 =	simm.s32 $0x1D720  }
0x146: {  	s5 =	simm.s32 $0x3030;
	s8 =	simm.s32 $0xC0;
	v1 =	vld.idx.msk [tilespmem:v1+s17+$0x0], $0xffff;
	[tilespmem:s25+$0xFFFFFFE0] =	vst v0  }
0x147: {  	s0 =	sand.u32 $0xFC0, s8;
	v0 =	vld [tilespmem:s5+$0xFFFFFFE0]  }
0x148: {  	v3 =	vld [tilespmem:s0+$0x3000];
	_ =	sdelay $0x1  }
0x149: {  	s26 =	simm.s32 $0x1D760  }
0x14a: {  	s9 =	simm.s32 $0x3070;
	[tilespmem:s26+$0xFFFFFFE0] =	vst v1;
	v1 =	vld.idx.msk [tilespmem:v2+s17+$0x0], $0xffff  }
0x14b: {  	s1 =	simm.s32 $0x100;
	v2 =	vld [tilespmem:s9+$0xFFFFFFE0]  }
0x14c: {  	s0 =	sand.u32 $0xFC0, s1  }
0x14d: {  	v4 =	vld [tilespmem:s0+$0x3000]  }
0x14e: {  	s28 =	simm.s32 $0x1D7A0;
	v0 =	vld.idx.msk [tilespmem:v0+s17+$0x0], $0xffff  }
0x14f: {  	s1 =	simm.s32 $0x30B0;
	v3 =	vld.idx.msk [tilespmem:v3+s17+$0x0], $0xffff;
	[tilespmem:s28+$0xFFFFFFE0] =	vst v1  }
0x150: {  	v1 =	vld [tilespmem:s1+$0xFFFFFFE0];
	_ =	sdelay $0x2  }
0x151: {  	v2 =	vld.idx.msk [tilespmem:v2+s17+$0x0], $0xffff;
	[tilespmem:s25+$0xFFFFFFF0] =	vst v0  }
0x152: {  	s2 =	simm.s32 $0x140;
	s29 =	simm.s32 $0x1D7E0;
	v0 =	vld [tilespmem:s5+$0xFFFFFFF0]  }
0x153: {  	s0 =	sand.u32 $0xFC0, s2;
	[tilespmem:s29+$0xFFFFFFE0] =	vst v3;
	v3 =	vld.idx.msk [tilespmem:v4+s17+$0x0], $0xffff  }
0x154: {  	v5 =	vld [tilespmem:s0+$0x3000];
	s0 =	simm.s32 $0x30F0  }
0x155: {  	v4 =	vld [tilespmem:s0+$0xFFFFFFE0]  }
0x156: {  	s4 =	simm.s32 $0x180;
	[tilespmem:s26+$0xFFFFFFF0] =	vst v2;
	v1 =	vld.idx.msk [tilespmem:v1+s17+$0x0], $0xffff  }
0x157: {  	s30 =	simm.s32 $0x1D820;
	s6 =	sand.u32 $0xFC0, s4;
	v2 =	vld [tilespmem:s9+$0xFFFFFFF0]  }
0x158: {  	v6 =	vld [tilespmem:s6+$0x3000];
	s2 =	simm.s32 $0x3130;
	[tilespmem:s30+$0xFFFFFFE0] =	vst v3  }
0x159: {  	s7 =	simm.s32 $0x1C0;
	v3 =	vld [tilespmem:s2+$0xFFFFFFE0]  }
0x15a: {  	s8 =	sand.u32 $0xFC0, s7;
	v0 =	vld.idx.msk [tilespmem:v0+s17+$0x0], $0xffff  }
0x15b: {  	v9 =	vld [tilespmem:s8+$0x3000]  }
0x15c: {  	v5 =	vld.idx.msk [tilespmem:v5+s17+$0x0], $0xffff;
	[tilespmem:s28+$0xFFFFFFF0] =	vst v1  }
0x15d: {  	v7 =	vld [tilespmem:s1+$0xFFFFFFF0]  }
0x15e: {  	v1 =	vld.idx.msk [tilespmem:v4+s17+$0x0], $0xffff  }
0x15f: {  	v8 =	vld.idx.msk [tilespmem:v2+s17+$0x0], $0xffff;
	[tilespmem:s25+$0x0] =	vst v0  }
0x160: {  	s31 =	simm.s32 $0x1D860;
	v0 =	vld [tilespmem:s5+$0x0]  }
0x161: {  	[tilespmem:s31+$0xFFFFFFE0] =	vst v5;
	v5 =	vld.idx.msk [tilespmem:v6+s17+$0x0], $0xffff  }
0x162: {  	s4 =	simm.s32 $0x3170;
	v10 =	vld.idx.msk [tilespmem:v3+s17+$0x0], $0xffff  }
0x163: {  	v4 =	vld [tilespmem:s4+$0xFFFFFFE0];
	[tilespmem:s29+$0xFFFFFFF0] =	vst v1  }
0x164: {  	v2 =	vld [tilespmem:s0+$0xFFFFFFF0]  }
0x165: {  	s6 =	simm.s32 $0x200;
	[tilespmem:s26+$0x0] =	vst v8;
	v3 =	vld.idx.msk [tilespmem:v7+s17+$0x0], $0xffff  }
0x166: {  	v1 =	vld [tilespmem:s9+$0x0];
	s9 =	sand.u32 $0xFC0, s6  }
0x167: {  	s7 =	simm.s32 $0x1D8A0;
	v8 =	vld [tilespmem:s9+$0x3000]  }
0x168: {  	s8 =	simm.s32 $0x31B0;
	[tilespmem:s7+$0xFFFFFFE0] =	vst v5;
	v0 =	vld.idx.msk [tilespmem:v0+s17+$0x0], $0xffff  }
0x169: {  	v6 =	vld [tilespmem:s8+$0xFFFFFFE0];
	[tilespmem:s30+$0xFFFFFFF0] =	vst v10  }
0x16a: {  	v5 =	vld [tilespmem:s2+$0xFFFFFFF0]  }
0x16b: {  	s3 =	simm.s32 $0x1D8A0;
	v7 =	vld.idx.msk [tilespmem:v9+s17+$0x0], $0xffff;
	s5 =	simm.s32 $0x31B0  }
.LBB2_8:
0x16c: {  	s6 =	sadd.s32 $0x40, s6;
	v9 =	vld.idx.msk [tilespmem:v4+s17+$0x0], $0xffff;
	[tilespmem:s28+$0x0] =	vst v3  }
0x16d: {  	s9 =	sand.u32 $0xFC0, s6;
	p0 =	slt.u32 s6, $0xFC0;
	v10 =	vld [tilespmem:s1+$0x0];
	[tilespmem:s25+$0x10] =	vst v0;
	v11 =	vmov v8;
	s25 =	smov.u32 s26  }
0x16e: {  	s7 =	sadd.s32 $0x40, s7;
	s26 =	smov.u32 s28;
	s28 =	smov.u32 s29;
	v3 =	vld.idx.msk [tilespmem:v2+s17+$0x0], $0xffff;
	v4 =	vmov v6  }
.Ltmp3:
0x16f: {  	s8 =	sadd.s32 $0x40, s8;
	s29 =	smov.u32 s30;
	v0 =	vld.idx.msk [tilespmem:v1+s17+$0x0], $0xffff;
	(pc) =	sbr.rel @p0 .LBB2_8-.Ltmp3, $4  }
0x170: {  	s30 =	smov.u32 s31;
	s31 =	smov.u32 s3;
	s3 =	smov.u32 s7;
	v8 =	vld [tilespmem:s9+$0x3000];
	[tilespmem:s7+$0xFFFFFFE0] =	vst v7;
	v2 =	vmov v5  }
0x171: {  	s1 =	smov.u32 s0;
	s0 =	smov.u32 s2;
	s2 =	smov.u32 s4;
	v6 =	vld [tilespmem:s8+$0xFFFFFFE0]  }
0x172: {  	s4 =	smov.u32 s5;
	s5 =	smov.u32 s8;
	v7 =	vld.idx.msk [tilespmem:v11+s17+$0x0], $0xffff;
	[tilespmem:s30+$0xFFFFFFF0] =	vst v9;
	v1 =	vmov v10  }
0x173: {  	v5 =	vld [tilespmem:s2+$0xFFFFFFF0]  }
0x174: {  	_ =	sdelay $0x4  }
0x175: {  	v8 =	vld.idx.msk [tilespmem:v8+s17+$0x0], $0xffff;
	_ =	sdelay $0x2  }
0x176: {  	s6 =	sadd.s32 $0x40, s7  }
0x177: {  	s7 =	sadd.s32 $0x40, s8;
	s8 =	sadd.s32 $0x40, s6;
	[tilespmem:s6+$0xFFFFFFE0] =	vst v7  }
0x178: {  	s9 =	sadd.s32 $0x40, s7;
	v7 =	vld [tilespmem:s7+$0xFFFFFFE0];
	[tilespmem:s8+$0xFFFFFFE0] =	vst v8  }
0x179: {  	v8 =	vld [tilespmem:s9+$0xFFFFFFE0];
	_ =	sdelay $0x3  }
0x17a: {  	v4 =	vld.idx.msk [tilespmem:v4+s17+$0x0], $0xffff  }
0x17b: {  	v6 =	vld.idx.msk [tilespmem:v6+s17+$0x0], $0xffff;
	_ =	sdelay $0x1  }
0x17c: {  	v7 =	vld.idx.msk [tilespmem:v7+s17+$0x0], $0xffff  }
0x17d: {  	v8 =	vld.idx.msk [tilespmem:v8+s17+$0x0], $0xffff  }
0x17e: {  	[tilespmem:s31+$0xFFFFFFF0] =	vst v4  }
0x17f: {  	v4 =	vld [tilespmem:s4+$0xFFFFFFF0];
	[tilespmem:s3+$0xFFFFFFF0] =	vst v6  }
0x180: {  	v6 =	vld [tilespmem:s5+$0xFFFFFFF0]  }
0x181: {  	[tilespmem:s6+$0xFFFFFFF0] =	vst v7  }
0x182: {  	v7 =	vld [tilespmem:s7+$0xFFFFFFF0];
	[tilespmem:s8+$0xFFFFFFF0] =	vst v8  }
0x183: {  	v8 =	vld [tilespmem:s9+$0xFFFFFFF0]  }
0x184: {  	v2 =	vld.idx.msk [tilespmem:v2+s17+$0x0], $0xffff  }
0x185: {  	v1 =	vld.idx.msk [tilespmem:v1+s17+$0x0], $0xffff  }
0x186: {  	v5 =	vld.idx.msk [tilespmem:v5+s17+$0x0], $0xffff  }
0x187: {  	v4 =	vld.idx.msk [tilespmem:v4+s17+$0x0], $0xffff  }
0x188: {  	[tilespmem:s28+$0x0] =	vst v3;
	v6 =	vld.idx.msk [tilespmem:v6+s17+$0x0], $0xffff  }
0x189: {  	v3 =	vld [tilespmem:s1+$0x0]  }
0x18a: {  	[tilespmem:s29+$0x0] =	vst v2;
	v7 =	vld.idx.msk [tilespmem:v7+s17+$0x0], $0xffff  }
0x18b: {  	[tilespmem:s30+$0x0] =	vst v5;
	v2 =	vld.idx.msk [tilespmem:v8+s17+$0x0], $0xffff  }
0x18c: {  	v5 =	vld [tilespmem:s2+$0x0];
	[tilespmem:s31+$0x0] =	vst v4  }
0x18d: {  	v4 =	vld [tilespmem:s4+$0x0];
	[tilespmem:s3+$0x0] =	vst v6  }
0x18e: {  	v6 =	vld [tilespmem:s5+$0x0]  }
0x18f: {  	v8 =	vld [tilespmem:s0+$0x0];
	[tilespmem:s6+$0x0] =	vst v7  }
0x190: {  	v7 =	vld [tilespmem:s7+$0x0];
	[tilespmem:s8+$0x0] =	vst v2  }
0x191: {  	v2 =	vld [tilespmem:s9+$0x0];
	_ =	sdelay $0x1  }
0x192: {  	v3 =	vld.idx.msk [tilespmem:v3+s17+$0x0], $0xffff  }
0x193: {  	v5 =	vld.idx.msk [tilespmem:v5+s17+$0x0], $0xffff  }
0x194: {  	[tilespmem:s25+$0x10] =	vst v0;
	v0 =	vld.idx.msk [tilespmem:v4+s17+$0x0], $0xffff  }
0x195: {  	[tilespmem:s26+$0x10] =	vst v1;
	v1 =	vld.idx.msk [tilespmem:v6+s17+$0x0], $0xffff  }
0x196: {  	v8 =	vld.idx.msk [tilespmem:v8+s17+$0x0], $0xffff  }
0x197: {  	[tilespmem:s28+$0x10] =	vst v3;
	v3 =	vld.idx.msk [tilespmem:v7+s17+$0x0], $0xffff  }
0x198: {  	[tilespmem:s30+$0x10] =	vst v5;
	v2 =	vld.idx.msk [tilespmem:v2+s17+$0x0], $0xffff  }
0x199: {  	[tilespmem:s31+$0x10] =	vst v0  }
0x19a: {  	[tilespmem:s3+$0x10] =	vst v1  }
0x19b: {  	[tilespmem:s29+$0x10] =	vst v8  }
0x19c: {  	[tilespmem:s6+$0x10] =	vst v3  }
0x19d: {  	[tilespmem:s8+$0x10] =	vst v2  }
0x19e: {  	s7 =	rddreg [dreg:$0x8]  }
0x19f: {  	[hbm4b:s7+s15] =	stream.strided.scatter [tilespmem:s21], [sflag:$0x4], $0x1000, s16, s15, $0x38;
	[tilespmem:$0x1E700] =	vst v63  }
0x1a0: {  	s8 =	rddreg [dreg:$0x9]  }
0x1a1: {  	[tilespmem:s17], [sflag:$0x1] =	stream.strided.gather [hbm4b:s8+s15], $0x18700, s16, s15, $0x38;
	[tilespmem:$0x1E700] =	vst v63  }
0x1a2: {  	_ =	swait.ge [sflag:s18], $0x18700  }
0x1a3: {  	[sflag:s18] =	ssyncset.done $0x0  }
0x1a4: {  	[sflag:s18] =	ssyncadd.s32 $0xFFFE7900  }
0x1a5: {  	_ =	swait.ge [sflag:s22], $0x1000  }
0x1a6: {  	[sflag:s22] =	ssyncset.done $0x0  }
0x1a7: {  	s9 =	simm.s32 $0x20;
	[sflag:s22] =	ssyncadd.s32 $0xFFFFF000  }
0x1a8: {  	v0 =	vld [tilespmem:s9+$0xFFFFFFE0];
	_ =	sdelay $0x7  }
0x1a9: {  	s31 =	simm.s32 $0x60;
	v0 =	vld.idx.msk [tilespmem:v0+s17+$0x0], $0xffff  }
0x1aa: {  	v1 =	vld [tilespmem:s31+$0xFFFFFFE0];
	_ =	sdelay $0x2  }
0x1ab: {  	s25 =	simm.s32 $0x1C720  }
0x1ac: {  	[tilespmem:s25+$0xFFFFFFE0] =	vst v0  }
0x1ad: {  	v0 =	vld [tilespmem:s9+$0xFFFFFFF0];
	_ =	sdelay $0x2  }
0x1ae: {  	s2 =	simm.s32 $0xA0;
	v1 =	vld.idx.msk [tilespmem:v1+s17+$0x0], $0xffff  }
0x1af: {  	v2 =	vld [tilespmem:s2+$0xFFFFFFE0];
	_ =	sdelay $0x2  }
0x1b0: {  	s0 =	simm.s32 $0x1C760  }
0x1b1: {  	[tilespmem:s0+$0xFFFFFFE0] =	vst v1;
	v0 =	vld.idx.msk [tilespmem:v0+s17+$0x0], $0xffff  }
0x1b2: {  	v1 =	vld [tilespmem:s31+$0xFFFFFFF0]  }
0x1b3: {  	s28 =	simm.s32 $0xE0  }
0x1b4: {  	v3 =	vld [tilespmem:s28+$0xFFFFFFE0]  }
0x1b5: {  	v2 =	vld.idx.msk [tilespmem:v2+s17+$0x0], $0xffff  }
0x1b6: {  	[tilespmem:s25+$0xFFFFFFF0] =	vst v0  }
0x1b7: {  	v0 =	vld [tilespmem:s9+$0x0]  }
0x1b8: {  	s3 =	simm.s32 $0x120  }
0x1b9: {  	s26 =	simm.s32 $0x1C7A0;
	v4 =	vld [tilespmem:s3+$0xFFFFFFE0]  }
0x1ba: {  	[tilespmem:s26+$0xFFFFFFE0] =	vst v2;
	v1 =	vld.idx.msk [tilespmem:v1+s17+$0x0], $0xffff  }
0x1bb: {  	v2 =	vld [tilespmem:s2+$0xFFFFFFF0]  }
0x1bc: {  	v3 =	vld.idx.msk [tilespmem:v3+s17+$0x0], $0xffff;
	_ =	sdelay $0x2  }
0x1bd: {  	[tilespmem:s0+$0xFFFFFFF0] =	vst v1;
	v0 =	vld.idx.msk [tilespmem:v0+s17+$0x0], $0xffff  }
0x1be: {  	s1 =	simm.s32 $0x1C7E0;
	s29 =	simm.s32 $0x160;
	v1 =	vld [tilespmem:s31+$0x0]  }
0x1bf: {  	v6 =	vld [tilespmem:s29+$0xFFFFFFE0];
	[tilespmem:s1+$0xFFFFFFE0] =	vst v3  }
0x1c0: {  	v3 =	vld [tilespmem:s28+$0xFFFFFFF0]  }
0x1c1: {  	v2 =	vld.idx.msk [tilespmem:v2+s17+$0x0], $0xffff  }
0x1c2: {  	v4 =	vld.idx.msk [tilespmem:v4+s17+$0x0], $0xffff;
	[tilespmem:s25+$0x0] =	vst v0  }
0x1c3: {  	v0 =	vld [tilespmem:s9+$0x10]  }
0x1c4: {  	s5 =	simm.s32 $0x1A0  }
0x1c5: {  	v5 =	vld [tilespmem:s5+$0xFFFFFFE0]  }
0x1c6: {  	[tilespmem:s26+$0xFFFFFFF0] =	vst v2;
	v1 =	vld.idx.msk [tilespmem:v1+s17+$0x0], $0xffff  }
0x1c7: {  	s4 =	simm.s32 $0x1C820;
	v7 =	vld [tilespmem:s2+$0x0]  }
0x1c8: {  	[tilespmem:s4+$0xFFFFFFE0] =	vst v4;
	v3 =	vld.idx.msk [tilespmem:v3+s17+$0x0], $0xffff  }
0x1c9: {  	v2 =	vld [tilespmem:s3+$0xFFFFFFF0]  }
0x1ca: {  	v6 =	vld.idx.msk [tilespmem:v6+s17+$0x0], $0xffff  }
0x1cb: {  	[tilespmem:s0+$0x0] =	vst v1;
	v1 =	vld.idx.msk [tilespmem:v0+s17+$0x0], $0xffff  }
0x1cc: {  	v0 =	vld [tilespmem:s31+$0x10]  }
0x1cd: {  	[tilespmem:s1+$0xFFFFFFF0] =	vst v3  }
0x1ce: {  	v3 =	vld [tilespmem:s28+$0x0]  }
0x1cf: {  	s30 =	simm.s32 $0x1C860;
	s6 =	simm.s32 $0x180;
	s7 =	simm.s32 $0x1E0;
	v4 =	vld.idx.msk [tilespmem:v7+s17+$0x0], $0xffff  }
.LBB2_10:
0x1d0: {  	v7 =	vld [tilespmem:s7+$0xFFFFFFE0];
	[tilespmem:s30+$0xFFFFFFE0] =	vst v6  }
0x1d1: {  	v8 =	vld.idx.msk [tilespmem:v2+s17+$0x0], $0xffff;
	[tilespmem:s25+$0x10] =	vst v1;
	s25 =	smov.u32 s0;
	s0 =	smov.u32 s26;
	s26 =	smov.u32 s1  }
0x1d2: {  	s6 =	sadd.s32 $0x40, s6;
	s1 =	smov.u32 s4;
	s4 =	smov.u32 s30;
	v2 =	vld [tilespmem:s29+$0xFFFFFFF0]  }
0x1d3: {  	p0 =	slt.u32 s6, $0xFC0;
	v6 =	vld.idx.msk [tilespmem:v5+s17+$0x0], $0xffff  }
.Ltmp4:
0x1d4: {  	[tilespmem:s0+$0x0] =	vst v4;
	v1 =	vld.idx.msk [tilespmem:v0+s17+$0x0], $0xffff;
	(pc) =	sbr.rel @p0 .LBB2_10-.Ltmp4, $4  }
0x1d5: {  	v0 =	vld [tilespmem:s2+$0x10];
	v5 =	vmov v7;
	s2 =	smov.u32 s28;
	s28 =	smov.u32 s3  }
0x1d6: {  	s3 =	smov.u32 s29;
	s29 =	smov.u32 s5  }
0x1d7: {  	s5 =	smov.u32 s7;
	[tilespmem:s1+$0xFFFFFFF0] =	vst v8;
	v4 =	vld.idx.msk [tilespmem:v3+s17+$0x0], $0xffff  }
0x1d8: {  	s30 =	sadd.s32 $0x40, s30;
	s7 =	sadd.s32 $0x40, s7;
	v3 =	vld [tilespmem:s28+$0x0]  }
0x1d9: {  	_ =	sdelay $0x3  }
0x1da: {  	v5 =	vld.idx.msk [tilespmem:v5+s17+$0x0], $0xffff;
	_ =	sdelay $0x3  }
0x1db: {  	[tilespmem:s30+$0xFFFFFFE0] =	vst v6;
	s6 =	sadd.s32 $0x40, s30  }
0x1dc: {  	v6 =	vld [tilespmem:s29+$0xFFFFFFF0];
	[tilespmem:s6+$0xFFFFFFE0] =	vst v5  }
0x1dd: {  	v5 =	vld [tilespmem:s5+$0xFFFFFFF0];
	_ =	sdelay $0x5  }
0x1de: {  	v2 =	vld.idx.msk [tilespmem:v2+s17+$0x0], $0xffff  }
0x1df: {  	v6 =	vld.idx.msk [tilespmem:v6+s17+$0x0], $0xffff  }
0x1e0: {  	v5 =	vld.idx.msk [tilespmem:v5+s17+$0x0], $0xffff;
	_ =	sdelay $0x2  }
0x1e1: {  	[tilespmem:s4+$0xFFFFFFF0] =	vst v2  }
0x1e2: {  	v2 =	vld [tilespmem:s3+$0x0];
	[tilespmem:s30+$0xFFFFFFF0] =	vst v6  }
0x1e3: {  	v6 =	vld [tilespmem:s29+$0x0];
	[tilespmem:s6+$0xFFFFFFF0] =	vst v5  }
0x1e4: {  	v5 =	vld [tilespmem:s5+$0x0];
	_ =	sdelay $0x4  }
0x1e5: {  	v3 =	vld.idx.msk [tilespmem:v3+s17+$0x0], $0xffff  }
0x1e6: {  	v2 =	vld.idx.msk [tilespmem:v2+s17+$0x0], $0xffff  }
0x1e7: {  	v6 =	vld.idx.msk [tilespmem:v6+s17+$0x0], $0xffff  }
0x1e8: {  	v5 =	vld.idx.msk [tilespmem:v5+s17+$0x0], $0xffff  }
0x1e9: {  	[tilespmem:s26+$0x0] =	vst v4  }
0x1ea: {  	v4 =	vld [tilespmem:s2+$0x10];
	[tilespmem:s1+$0x0] =	vst v3  }
0x1eb: {  	v3 =	vld [tilespmem:s28+$0x10];
	[tilespmem:s4+$0x0] =	vst v2  }
0x1ec: {  	v2 =	vld [tilespmem:s3+$0x10];
	[tilespmem:s30+$0x0] =	vst v6  }
0x1ed: {  	v6 =	vld [tilespmem:s29+$0x10];
	[tilespmem:s6+$0x0] =	vst v5  }
0x1ee: {  	v5 =	vld [tilespmem:s5+$0x10];
	_ =	sdelay $0x2  }
0x1ef: {  	v0 =	vld.idx.msk [tilespmem:v0+s17+$0x0], $0xffff  }
0x1f0: {  	v4 =	vld.idx.msk [tilespmem:v4+s17+$0x0], $0xffff  }
0x1f1: {  	v3 =	vld.idx.msk [tilespmem:v3+s17+$0x0], $0xffff  }
0x1f2: {  	v2 =	vld.idx.msk [tilespmem:v2+s17+$0x0], $0xffff  }
0x1f3: {  	[tilespmem:s25+$0x10] =	vst v1;
	v1 =	vld.idx.msk [tilespmem:v6+s17+$0x0], $0xffff  }
0x1f4: {  	[tilespmem:s0+$0x10] =	vst v0;
	v0 =	vld.idx.msk [tilespmem:v5+s17+$0x0], $0xffff  }
0x1f5: {  	[tilespmem:s26+$0x10] =	vst v4  }
0x1f6: {  	[tilespmem:s1+$0x10] =	vst v3  }
0x1f7: {  	[tilespmem:s4+$0x10] =	vst v2  }
0x1f8: {  	[tilespmem:s30+$0x10] =	vst v1  }
0x1f9: {  	[tilespmem:s6+$0x10] =	vst v0  }
0x1fa: {  	[hbm4b:s10+s15] =	stream.strided.scatter [tilespmem:s20], [sflag:$0x3], $0x1000, s16, s15, $0x38;
	[tilespmem:$0x1E700] =	vst v63  }
0x1fb: {  	_ =	swait.ge [sflag:s23], $0x1000  }
0x1fc: {  	s2 =	simm.s32 $0x0;
	[sflag:s23] =	ssyncset.done $0x0  }
0x1fd: {  	s0 =	sand.u32 $0xFC0, s2;
	[sflag:s23] =	ssyncadd.s32 $0xFFFFF000  }
0x1fe: {  	v0 =	vld [tilespmem:s0+$0x1000];
	_ =	sdelay $0x2  }
0x1ff: {  	s3 =	simm.s32 $0x40  }
0x200: {  	s0 =	sand.u32 $0xFC0, s3  }
0x201: {  	v1 =	vld [tilespmem:s0+$0x1000];
	_ =	sdelay $0x2  }
0x202: {  	s4 =	simm.s32 $0x80;
	v0 =	vld.idx.msk [tilespmem:v0+s17+$0x0], $0xffff  }
0x203: {  	s0 =	sand.u32 $0xFC0, s4  }
0x204: {  	v2 =	vld [tilespmem:s0+$0x1000];
	_ =	sdelay $0x1  }
0x205: {  	s25 =	simm.s32 $0x1D720  }
0x206: {  	s8 =	simm.s32 $0xC0;
	s5 =	simm.s32 $0x1030;
	v1 =	vld.idx.msk [tilespmem:v1+s17+$0x0], $0xffff;
	[tilespmem:s25+$0xFFFFFFE0] =	vst v0  }
0x207: {  	s0 =	sand.u32 $0xFC0, s8;
	v0 =	vld [tilespmem:s5+$0xFFFFFFE0]  }
0x208: {  	v3 =	vld [tilespmem:s0+$0x1000];
	_ =	sdelay $0x1  }
0x209: {  	s26 =	simm.s32 $0x1D760  }
0x20a: {  	s9 =	simm.s32 $0x1070;
	[tilespmem:s26+$0xFFFFFFE0] =	vst v1;
	v1 =	vld.idx.msk [tilespmem:v2+s17+$0x0], $0xffff  }
0x20b: {  	s1 =	simm.s32 $0x100;
	v2 =	vld [tilespmem:s9+$0xFFFFFFE0]  }
0x20c: {  	s0 =	sand.u32 $0xFC0, s1  }
0x20d: {  	v4 =	vld [tilespmem:s0+$0x1000]  }
0x20e: {  	s28 =	simm.s32 $0x1D7A0;
	v0 =	vld.idx.msk [tilespmem:v0+s17+$0x0], $0xffff  }
0x20f: {  	s1 =	simm.s32 $0x10B0;
	v3 =	vld.idx.msk [tilespmem:v3+s17+$0x0], $0xffff;
	[tilespmem:s28+$0xFFFFFFE0] =	vst v1  }
0x210: {  	v1 =	vld [tilespmem:s1+$0xFFFFFFE0];
	_ =	sdelay $0x2  }
0x211: {  	v2 =	vld.idx.msk [tilespmem:v2+s17+$0x0], $0xffff;
	[tilespmem:s25+$0xFFFFFFF0] =	vst v0  }
0x212: {  	s2 =	simm.s32 $0x140;
	s29 =	simm.s32 $0x1D7E0;
	v0 =	vld [tilespmem:s5+$0xFFFFFFF0]  }
0x213: {  	s0 =	sand.u32 $0xFC0, s2;
	[tilespmem:s29+$0xFFFFFFE0] =	vst v3;
	v3 =	vld.idx.msk [tilespmem:v4+s17+$0x0], $0xffff  }
0x214: {  	v5 =	vld [tilespmem:s0+$0x1000];
	s0 =	simm.s32 $0x10F0  }
0x215: {  	v4 =	vld [tilespmem:s0+$0xFFFFFFE0]  }
0x216: {  	s4 =	simm.s32 $0x180;
	[tilespmem:s26+$0xFFFFFFF0] =	vst v2;
	v1 =	vld.idx.msk [tilespmem:v1+s17+$0x0], $0xffff  }
0x217: {  	s30 =	simm.s32 $0x1D820;
	s6 =	sand.u32 $0xFC0, s4;
	v2 =	vld [tilespmem:s9+$0xFFFFFFF0]  }
0x218: {  	v6 =	vld [tilespmem:s6+$0x1000];
	s2 =	simm.s32 $0x1130;
	[tilespmem:s30+$0xFFFFFFE0] =	vst v3  }
0x219: {  	s7 =	simm.s32 $0x1C0;
	v3 =	vld [tilespmem:s2+$0xFFFFFFE0]  }
0x21a: {  	s8 =	sand.u32 $0xFC0, s7;
	v0 =	vld.idx.msk [tilespmem:v0+s17+$0x0], $0xffff  }
0x21b: {  	v9 =	vld [tilespmem:s8+$0x1000]  }
0x21c: {  	v5 =	vld.idx.msk [tilespmem:v5+s17+$0x0], $0xffff;
	[tilespmem:s28+$0xFFFFFFF0] =	vst v1  }
0x21d: {  	v7 =	vld [tilespmem:s1+$0xFFFFFFF0]  }
0x21e: {  	v1 =	vld.idx.msk [tilespmem:v4+s17+$0x0], $0xffff  }
0x21f: {  	v8 =	vld.idx.msk [tilespmem:v2+s17+$0x0], $0xffff;
	[tilespmem:s25+$0x0] =	vst v0  }
0x220: {  	s31 =	simm.s32 $0x1D860;
	v0 =	vld [tilespmem:s5+$0x0]  }
0x221: {  	[tilespmem:s31+$0xFFFFFFE0] =	vst v5;
	v5 =	vld.idx.msk [tilespmem:v6+s17+$0x0], $0xffff  }
0x222: {  	s4 =	simm.s32 $0x1170;
	v10 =	vld.idx.msk [tilespmem:v3+s17+$0x0], $0xffff  }
0x223: {  	v4 =	vld [tilespmem:s4+$0xFFFFFFE0];
	[tilespmem:s29+$0xFFFFFFF0] =	vst v1  }
0x224: {  	v2 =	vld [tilespmem:s0+$0xFFFFFFF0]  }
0x225: {  	s6 =	simm.s32 $0x200;
	[tilespmem:s26+$0x0] =	vst v8;
	v3 =	vld.idx.msk [tilespmem:v7+s17+$0x0], $0xffff  }
0x226: {  	v1 =	vld [tilespmem:s9+$0x0];
	s9 =	sand.u32 $0xFC0, s6  }
0x227: {  	s7 =	simm.s32 $0x1D8A0;
	v8 =	vld [tilespmem:s9+$0x1000]  }
0x228: {  	s8 =	simm.s32 $0x11B0;
	[tilespmem:s7+$0xFFFFFFE0] =	vst v5;
	v0 =	vld.idx.msk [tilespmem:v0+s17+$0x0], $0xffff  }
0x229: {  	v6 =	vld [tilespmem:s8+$0xFFFFFFE0];
	[tilespmem:s30+$0xFFFFFFF0] =	vst v10  }
0x22a: {  	v5 =	vld [tilespmem:s2+$0xFFFFFFF0]  }
0x22b: {  	s3 =	simm.s32 $0x1D8A0;
	v7 =	vld.idx.msk [tilespmem:v9+s17+$0x0], $0xffff;
	s5 =	simm.s32 $0x11B0  }
.LBB2_12:
0x22c: {  	s6 =	sadd.s32 $0x40, s6;
	v9 =	vld.idx.msk [tilespmem:v4+s17+$0x0], $0xffff;
	[tilespmem:s28+$0x0] =	vst v3  }
0x22d: {  	s9 =	sand.u32 $0xFC0, s6;
	p0 =	slt.u32 s6, $0xFC0;
	v10 =	vld [tilespmem:s1+$0x0];
	[tilespmem:s25+$0x10] =	vst v0;
	v11 =	vmov v8;
	s25 =	smov.u32 s26  }
0x22e: {  	s7 =	sadd.s32 $0x40, s7;
	s26 =	smov.u32 s28;
	s28 =	smov.u32 s29;
	v3 =	vld.idx.msk [tilespmem:v2+s17+$0x0], $0xffff;
	v4 =	vmov v6  }
.Ltmp5:
0x22f: {  	s8 =	sadd.s32 $0x40, s8;
	s29 =	smov.u32 s30;
	v0 =	vld.idx.msk [tilespmem:v1+s17+$0x0], $0xffff;
	(pc) =	sbr.rel @p0 .LBB2_12-.Ltmp5, $4  }
0x230: {  	s30 =	smov.u32 s31;
	s31 =	smov.u32 s3;
	s3 =	smov.u32 s7;
	v8 =	vld [tilespmem:s9+$0x1000];
	[tilespmem:s7+$0xFFFFFFE0] =	vst v7;
	v2 =	vmov v5  }
0x231: {  	s1 =	smov.u32 s0;
	s0 =	smov.u32 s2;
	s2 =	smov.u32 s4;
	v6 =	vld [tilespmem:s8+$0xFFFFFFE0]  }
0x232: {  	s4 =	smov.u32 s5;
	s5 =	smov.u32 s8;
	v7 =	vld.idx.msk [tilespmem:v11+s17+$0x0], $0xffff;
	[tilespmem:s30+$0xFFFFFFF0] =	vst v9;
	v1 =	vmov v10  }
0x233: {  	v5 =	vld [tilespmem:s2+$0xFFFFFFF0]  }
0x234: {  	_ =	sdelay $0x4  }
0x235: {  	v8 =	vld.idx.msk [tilespmem:v8+s17+$0x0], $0xffff;
	_ =	sdelay $0x2  }
0x236: {  	s6 =	sadd.s32 $0x40, s7  }
0x237: {  	s7 =	sadd.s32 $0x40, s8;
	s8 =	sadd.s32 $0x40, s6;
	[tilespmem:s6+$0xFFFFFFE0] =	vst v7  }
0x238: {  	s9 =	sadd.s32 $0x40, s7;
	v7 =	vld [tilespmem:s7+$0xFFFFFFE0];
	[tilespmem:s8+$0xFFFFFFE0] =	vst v8  }
0x239: {  	v8 =	vld [tilespmem:s9+$0xFFFFFFE0];
	_ =	sdelay $0x3  }
0x23a: {  	v4 =	vld.idx.msk [tilespmem:v4+s17+$0x0], $0xffff  }
0x23b: {  	v6 =	vld.idx.msk [tilespmem:v6+s17+$0x0], $0xffff;
	_ =	sdelay $0x1  }
0x23c: {  	v7 =	vld.idx.msk [tilespmem:v7+s17+$0x0], $0xffff  }
0x23d: {  	v8 =	vld.idx.msk [tilespmem:v8+s17+$0x0], $0xffff  }
0x23e: {  	[tilespmem:s31+$0xFFFFFFF0] =	vst v4  }
0x23f: {  	v4 =	vld [tilespmem:s4+$0xFFFFFFF0];
	[tilespmem:s3+$0xFFFFFFF0] =	vst v6  }
0x240: {  	v6 =	vld [tilespmem:s5+$0xFFFFFFF0]  }
0x241: {  	[tilespmem:s6+$0xFFFFFFF0] =	vst v7  }
0x242: {  	v7 =	vld [tilespmem:s7+$0xFFFFFFF0];
	[tilespmem:s8+$0xFFFFFFF0] =	vst v8  }
0x243: {  	v8 =	vld [tilespmem:s9+$0xFFFFFFF0]  }
0x244: {  	v2 =	vld.idx.msk [tilespmem:v2+s17+$0x0], $0xffff  }
0x245: {  	v1 =	vld.idx.msk [tilespmem:v1+s17+$0x0], $0xffff  }
0x246: {  	v5 =	vld.idx.msk [tilespmem:v5+s17+$0x0], $0xffff  }
0x247: {  	v4 =	vld.idx.msk [tilespmem:v4+s17+$0x0], $0xffff  }
0x248: {  	[tilespmem:s28+$0x0] =	vst v3;
	v6 =	vld.idx.msk [tilespmem:v6+s17+$0x0], $0xffff  }
0x249: {  	v3 =	vld [tilespmem:s1+$0x0]  }
0x24a: {  	[tilespmem:s29+$0x0] =	vst v2;
	v7 =	vld.idx.msk [tilespmem:v7+s17+$0x0], $0xffff  }
0x24b: {  	[tilespmem:s30+$0x0] =	vst v5;
	v2 =	vld.idx.msk [tilespmem:v8+s17+$0x0], $0xffff  }
0x24c: {  	v5 =	vld [tilespmem:s2+$0x0];
	[tilespmem:s31+$0x0] =	vst v4  }
0x24d: {  	v4 =	vld [tilespmem:s4+$0x0];
	[tilespmem:s3+$0x0] =	vst v6  }
0x24e: {  	v6 =	vld [tilespmem:s5+$0x0]  }
0x24f: {  	v8 =	vld [tilespmem:s0+$0x0];
	[tilespmem:s6+$0x0] =	vst v7  }
0x250: {  	v7 =	vld [tilespmem:s7+$0x0];
	[tilespmem:s8+$0x0] =	vst v2  }
0x251: {  	v2 =	vld [tilespmem:s9+$0x0];
	_ =	sdelay $0x1  }
0x252: {  	v3 =	vld.idx.msk [tilespmem:v3+s17+$0x0], $0xffff  }
0x253: {  	v5 =	vld.idx.msk [tilespmem:v5+s17+$0x0], $0xffff  }
0x254: {  	[tilespmem:s25+$0x10] =	vst v0;
	v0 =	vld.idx.msk [tilespmem:v4+s17+$0x0], $0xffff  }
0x255: {  	[tilespmem:s26+$0x10] =	vst v1;
	v1 =	vld.idx.msk [tilespmem:v6+s17+$0x0], $0xffff  }
0x256: {  	v8 =	vld.idx.msk [tilespmem:v8+s17+$0x0], $0xffff  }
0x257: {  	[tilespmem:s28+$0x10] =	vst v3;
	v3 =	vld.idx.msk [tilespmem:v7+s17+$0x0], $0xffff  }
0x258: {  	[tilespmem:s30+$0x10] =	vst v5;
	v2 =	vld.idx.msk [tilespmem:v2+s17+$0x0], $0xffff  }
0x259: {  	[tilespmem:s31+$0x10] =	vst v0  }
0x25a: {  	[tilespmem:s3+$0x10] =	vst v1  }
0x25b: {  	[tilespmem:s29+$0x10] =	vst v8  }
0x25c: {  	[tilespmem:s6+$0x10] =	vst v3  }
0x25d: {  	[tilespmem:s8+$0x10] =	vst v2  }
0x25e: {  	[hbm4b:s11+s15] =	stream.strided.scatter [tilespmem:s21], [sflag:$0x4], $0x1000, s16, s15, $0x38;
	[tilespmem:$0x1E700] =	vst v63  }
0x25f: {  	_ =	swait.ge [sflag:s22], $0x1000  }
0x260: {  	s2 =	simm.s32 $0x0;
	[sflag:s22] =	ssyncset.done $0x0  }
0x261: {  	s0 =	sand.u32 $0xFC0, s2;
	[sflag:s22] =	ssyncadd.s32 $0xFFFFF000  }
0x262: {  	v0 =	vld [tilespmem:s0+$0x2000];
	_ =	sdelay $0x2  }
0x263: {  	s3 =	simm.s32 $0x40  }
0x264: {  	s0 =	sand.u32 $0xFC0, s3  }
0x265: {  	v1 =	vld [tilespmem:s0+$0x2000];
	_ =	sdelay $0x2  }
0x266: {  	s4 =	simm.s32 $0x80;
	v0 =	vld.idx.msk [tilespmem:v0+s17+$0x0], $0xffff  }
0x267: {  	s0 =	sand.u32 $0xFC0, s4  }
0x268: {  	v2 =	vld [tilespmem:s0+$0x2000];
	_ =	sdelay $0x1  }
0x269: {  	s25 =	simm.s32 $0x1C720  }
0x26a: {  	s5 =	simm.s32 $0x2030;
	s8 =	simm.s32 $0xC0;
	v1 =	vld.idx.msk [tilespmem:v1+s17+$0x0], $0xffff;
	[tilespmem:s25+$0xFFFFFFE0] =	vst v0  }
0x26b: {  	s0 =	sand.u32 $0xFC0, s8;
	v0 =	vld [tilespmem:s5+$0xFFFFFFE0]  }
0x26c: {  	v3 =	vld [tilespmem:s0+$0x2000];
	_ =	sdelay $0x1  }
0x26d: {  	s26 =	simm.s32 $0x1C760  }
0x26e: {  	s9 =	simm.s32 $0x2070;
	[tilespmem:s26+$0xFFFFFFE0] =	vst v1;
	v1 =	vld.idx.msk [tilespmem:v2+s17+$0x0], $0xffff  }
0x26f: {  	s1 =	simm.s32 $0x100;
	v2 =	vld [tilespmem:s9+$0xFFFFFFE0]  }
0x270: {  	s0 =	sand.u32 $0xFC0, s1  }
0x271: {  	v4 =	vld [tilespmem:s0+$0x2000]  }
0x272: {  	s28 =	simm.s32 $0x1C7A0;
	v0 =	vld.idx.msk [tilespmem:v0+s17+$0x0], $0xffff  }
0x273: {  	s1 =	simm.s32 $0x20B0;
	v3 =	vld.idx.msk [tilespmem:v3+s17+$0x0], $0xffff;
	[tilespmem:s28+$0xFFFFFFE0] =	vst v1  }
0x274: {  	v1 =	vld [tilespmem:s1+$0xFFFFFFE0];
	_ =	sdelay $0x2  }
0x275: {  	v2 =	vld.idx.msk [tilespmem:v2+s17+$0x0], $0xffff;
	[tilespmem:s25+$0xFFFFFFF0] =	vst v0  }
0x276: {  	s2 =	simm.s32 $0x140;
	s29 =	simm.s32 $0x1C7E0;
	v0 =	vld [tilespmem:s5+$0xFFFFFFF0]  }
0x277: {  	s0 =	sand.u32 $0xFC0, s2;
	[tilespmem:s29+$0xFFFFFFE0] =	vst v3;
	v3 =	vld.idx.msk [tilespmem:v4+s17+$0x0], $0xffff  }
0x278: {  	v5 =	vld [tilespmem:s0+$0x2000];
	s0 =	simm.s32 $0x20F0  }
0x279: {  	v4 =	vld [tilespmem:s0+$0xFFFFFFE0]  }
0x27a: {  	s4 =	simm.s32 $0x180;
	[tilespmem:s26+$0xFFFFFFF0] =	vst v2;
	v1 =	vld.idx.msk [tilespmem:v1+s17+$0x0], $0xffff  }
0x27b: {  	s30 =	simm.s32 $0x1C820;
	s6 =	sand.u32 $0xFC0, s4;
	v2 =	vld [tilespmem:s9+$0xFFFFFFF0]  }
0x27c: {  	v6 =	vld [tilespmem:s6+$0x2000];
	s2 =	simm.s32 $0x2130;
	[tilespmem:s30+$0xFFFFFFE0] =	vst v3  }
0x27d: {  	s7 =	simm.s32 $0x1C0;
	v3 =	vld [tilespmem:s2+$0xFFFFFFE0]  }
0x27e: {  	s8 =	sand.u32 $0xFC0, s7;
	v0 =	vld.idx.msk [tilespmem:v0+s17+$0x0], $0xffff  }
0x27f: {  	v9 =	vld [tilespmem:s8+$0x2000]  }
0x280: {  	v5 =	vld.idx.msk [tilespmem:v5+s17+$0x0], $0xffff;
	[tilespmem:s28+$0xFFFFFFF0] =	vst v1  }
0x281: {  	v7 =	vld [tilespmem:s1+$0xFFFFFFF0]  }
0x282: {  	v1 =	vld.idx.msk [tilespmem:v4+s17+$0x0], $0xffff  }
0x283: {  	v8 =	vld.idx.msk [tilespmem:v2+s17+$0x0], $0xffff;
	[tilespmem:s25+$0x0] =	vst v0  }
0x284: {  	s31 =	simm.s32 $0x1C860;
	v0 =	vld [tilespmem:s5+$0x0]  }
0x285: {  	[tilespmem:s31+$0xFFFFFFE0] =	vst v5;
	v5 =	vld.idx.msk [tilespmem:v6+s17+$0x0], $0xffff  }
0x286: {  	s4 =	simm.s32 $0x2170;
	v10 =	vld.idx.msk [tilespmem:v3+s17+$0x0], $0xffff  }
0x287: {  	v4 =	vld [tilespmem:s4+$0xFFFFFFE0];
	[tilespmem:s29+$0xFFFFFFF0] =	vst v1  }
0x288: {  	v2 =	vld [tilespmem:s0+$0xFFFFFFF0]  }
0x289: {  	s6 =	simm.s32 $0x200;
	[tilespmem:s26+$0x0] =	vst v8;
	v3 =	vld.idx.msk [tilespmem:v7+s17+$0x0], $0xffff  }
0x28a: {  	v1 =	vld [tilespmem:s9+$0x0];
	s9 =	sand.u32 $0xFC0, s6  }
0x28b: {  	s7 =	simm.s32 $0x1C8A0;
	v8 =	vld [tilespmem:s9+$0x2000]  }
0x28c: {  	s8 =	simm.s32 $0x21B0;
	[tilespmem:s7+$0xFFFFFFE0] =	vst v5;
	v0 =	vld.idx.msk [tilespmem:v0+s17+$0x0], $0xffff  }
0x28d: {  	v6 =	vld [tilespmem:s8+$0xFFFFFFE0];
	[tilespmem:s30+$0xFFFFFFF0] =	vst v10  }
0x28e: {  	v5 =	vld [tilespmem:s2+$0xFFFFFFF0]  }
0x28f: {  	s3 =	simm.s32 $0x1C8A0;
	v7 =	vld.idx.msk [tilespmem:v9+s17+$0x0], $0xffff;
	s5 =	simm.s32 $0x21B0  }
.LBB2_14:
0x290: {  	s6 =	sadd.s32 $0x40, s6;
	v9 =	vld.idx.msk [tilespmem:v4+s17+$0x0], $0xffff;
	[tilespmem:s28+$0x0] =	vst v3  }
0x291: {  	s9 =	sand.u32 $0xFC0, s6;
	p0 =	slt.u32 s6, $0xFC0;
	v10 =	vld [tilespmem:s1+$0x0];
	[tilespmem:s25+$0x10] =	vst v0;
	v11 =	vmov v8;
	s25 =	smov.u32 s26  }
0x292: {  	s7 =	sadd.s32 $0x40, s7;
	s26 =	smov.u32 s28;
	s28 =	smov.u32 s29;
	v3 =	vld.idx.msk [tilespmem:v2+s17+$0x0], $0xffff;
	v4 =	vmov v6  }
.Ltmp6:
0x293: {  	s8 =	sadd.s32 $0x40, s8;
	s29 =	smov.u32 s30;
	v0 =	vld.idx.msk [tilespmem:v1+s17+$0x0], $0xffff;
	(pc) =	sbr.rel @p0 .LBB2_14-.Ltmp6, $4  }
0x294: {  	s30 =	smov.u32 s31;
	s31 =	smov.u32 s3;
	s3 =	smov.u32 s7;
	v8 =	vld [tilespmem:s9+$0x2000];
	[tilespmem:s7+$0xFFFFFFE0] =	vst v7;
	v2 =	vmov v5  }
0x295: {  	s1 =	smov.u32 s0;
	s0 =	smov.u32 s2;
	s2 =	smov.u32 s4;
	v6 =	vld [tilespmem:s8+$0xFFFFFFE0]  }
0x296: {  	s4 =	smov.u32 s5;
	s5 =	smov.u32 s8;
	v7 =	vld.idx.msk [tilespmem:v11+s17+$0x0], $0xffff;
	[tilespmem:s30+$0xFFFFFFF0] =	vst v9;
	v1 =	vmov v10  }
0x297: {  	v5 =	vld [tilespmem:s2+$0xFFFFFFF0]  }
0x298: {  	_ =	sdelay $0x4  }
0x299: {  	v8 =	vld.idx.msk [tilespmem:v8+s17+$0x0], $0xffff;
	_ =	sdelay $0x2  }
0x29a: {  	s6 =	sadd.s32 $0x40, s7  }
0x29b: {  	s7 =	sadd.s32 $0x40, s8;
	s8 =	sadd.s32 $0x40, s6;
	[tilespmem:s6+$0xFFFFFFE0] =	vst v7  }
0x29c: {  	s9 =	sadd.s32 $0x40, s7;
	v7 =	vld [tilespmem:s7+$0xFFFFFFE0];
	[tilespmem:s8+$0xFFFFFFE0] =	vst v8  }
0x29d: {  	v8 =	vld [tilespmem:s9+$0xFFFFFFE0];
	_ =	sdelay $0x3  }
0x29e: {  	v4 =	vld.idx.msk [tilespmem:v4+s17+$0x0], $0xffff  }
0x29f: {  	v6 =	vld.idx.msk [tilespmem:v6+s17+$0x0], $0xffff;
	_ =	sdelay $0x1  }
0x2a0: {  	v7 =	vld.idx.msk [tilespmem:v7+s17+$0x0], $0xffff  }
0x2a1: {  	v8 =	vld.idx.msk [tilespmem:v8+s17+$0x0], $0xffff  }
0x2a2: {  	[tilespmem:s31+$0xFFFFFFF0] =	vst v4  }
0x2a3: {  	v4 =	vld [tilespmem:s4+$0xFFFFFFF0];
	[tilespmem:s3+$0xFFFFFFF0] =	vst v6  }
0x2a4: {  	v6 =	vld [tilespmem:s5+$0xFFFFFFF0]  }
0x2a5: {  	[tilespmem:s6+$0xFFFFFFF0] =	vst v7  }
0x2a6: {  	v7 =	vld [tilespmem:s7+$0xFFFFFFF0];
	[tilespmem:s8+$0xFFFFFFF0] =	vst v8  }
0x2a7: {  	v8 =	vld [tilespmem:s9+$0xFFFFFFF0]  }
0x2a8: {  	v2 =	vld.idx.msk [tilespmem:v2+s17+$0x0], $0xffff  }
0x2a9: {  	v1 =	vld.idx.msk [tilespmem:v1+s17+$0x0], $0xffff  }
0x2aa: {  	v5 =	vld.idx.msk [tilespmem:v5+s17+$0x0], $0xffff  }
0x2ab: {  	v4 =	vld.idx.msk [tilespmem:v4+s17+$0x0], $0xffff  }
0x2ac: {  	[tilespmem:s28+$0x0] =	vst v3;
	v6 =	vld.idx.msk [tilespmem:v6+s17+$0x0], $0xffff  }
0x2ad: {  	v3 =	vld [tilespmem:s1+$0x0]  }
0x2ae: {  	[tilespmem:s29+$0x0] =	vst v2;
	v7 =	vld.idx.msk [tilespmem:v7+s17+$0x0], $0xffff  }
0x2af: {  	[tilespmem:s30+$0x0] =	vst v5;
	v2 =	vld.idx.msk [tilespmem:v8+s17+$0x0], $0xffff  }
0x2b0: {  	v5 =	vld [tilespmem:s2+$0x0];
	[tilespmem:s31+$0x0] =	vst v4  }
0x2b1: {  	v4 =	vld [tilespmem:s4+$0x0];
	[tilespmem:s3+$0x0] =	vst v6  }
0x2b2: {  	v6 =	vld [tilespmem:s5+$0x0]  }
0x2b3: {  	v8 =	vld [tilespmem:s0+$0x0];
	[tilespmem:s6+$0x0] =	vst v7  }
0x2b4: {  	v7 =	vld [tilespmem:s7+$0x0];
	[tilespmem:s8+$0x0] =	vst v2  }
0x2b5: {  	v2 =	vld [tilespmem:s9+$0x0];
	_ =	sdelay $0x1  }
0x2b6: {  	v3 =	vld.idx.msk [tilespmem:v3+s17+$0x0], $0xffff  }
0x2b7: {  	v5 =	vld.idx.msk [tilespmem:v5+s17+$0x0], $0xffff  }
0x2b8: {  	[tilespmem:s25+$0x10] =	vst v0;
	v0 =	vld.idx.msk [tilespmem:v4+s17+$0x0], $0xffff  }
0x2b9: {  	[tilespmem:s26+$0x10] =	vst v1;
	v1 =	vld.idx.msk [tilespmem:v6+s17+$0x0], $0xffff  }
0x2ba: {  	v8 =	vld.idx.msk [tilespmem:v8+s17+$0x0], $0xffff  }
0x2bb: {  	[tilespmem:s28+$0x10] =	vst v3;
	v3 =	vld.idx.msk [tilespmem:v7+s17+$0x0], $0xffff  }
0x2bc: {  	[tilespmem:s30+$0x10] =	vst v5;
	v2 =	vld.idx.msk [tilespmem:v2+s17+$0x0], $0xffff  }
0x2bd: {  	[tilespmem:s31+$0x10] =	vst v0  }
0x2be: {  	[tilespmem:s3+$0x10] =	vst v1  }
0x2bf: {  	[tilespmem:s29+$0x10] =	vst v8  }
0x2c0: {  	[tilespmem:s6+$0x10] =	vst v3  }
0x2c1: {  	[tilespmem:s8+$0x10] =	vst v2  }
0x2c2: {  	[hbm4b:s12+s15] =	stream.strided.scatter [tilespmem:s20], [sflag:$0x3], $0x1000, s16, s15, $0x38;
	[tilespmem:$0x1E700] =	vst v63  }
0x2c3: {  	_ =	swait.ge [sflag:s23], $0x1000  }
0x2c4: {  	s2 =	simm.s32 $0x0;
	[sflag:s23] =	ssyncset.done $0x0  }
0x2c5: {  	s0 =	sand.u32 $0xFC0, s2;
	[sflag:s23] =	ssyncadd.s32 $0xFFFFF000  }
0x2c6: {  	v0 =	vld [tilespmem:s0+$0x3000];
	_ =	sdelay $0x2  }
0x2c7: {  	s3 =	simm.s32 $0x40  }
0x2c8: {  	s0 =	sand.u32 $0xFC0, s3  }
0x2c9: {  	v1 =	vld [tilespmem:s0+$0x3000];
	_ =	sdelay $0x2  }
0x2ca: {  	s4 =	simm.s32 $0x80;
	v0 =	vld.idx.msk [tilespmem:v0+s17+$0x0], $0xffff  }
0x2cb: {  	s0 =	sand.u32 $0xFC0, s4  }
0x2cc: {  	v2 =	vld [tilespmem:s0+$0x3000];
	_ =	sdelay $0x1  }
0x2cd: {  	s25 =	simm.s32 $0x1D720  }
0x2ce: {  	s5 =	simm.s32 $0x3030;
	s8 =	simm.s32 $0xC0;
	v1 =	vld.idx.msk [tilespmem:v1+s17+$0x0], $0xffff;
	[tilespmem:s25+$0xFFFFFFE0] =	vst v0  }
0x2cf: {  	s0 =	sand.u32 $0xFC0, s8;
	v0 =	vld [tilespmem:s5+$0xFFFFFFE0]  }
0x2d0: {  	v3 =	vld [tilespmem:s0+$0x3000];
	_ =	sdelay $0x1  }
0x2d1: {  	s26 =	simm.s32 $0x1D760  }
0x2d2: {  	s9 =	simm.s32 $0x3070;
	[tilespmem:s26+$0xFFFFFFE0] =	vst v1;
	v1 =	vld.idx.msk [tilespmem:v2+s17+$0x0], $0xffff  }
0x2d3: {  	s1 =	simm.s32 $0x100;
	v2 =	vld [tilespmem:s9+$0xFFFFFFE0]  }
0x2d4: {  	s0 =	sand.u32 $0xFC0, s1  }
0x2d5: {  	v4 =	vld [tilespmem:s0+$0x3000]  }
0x2d6: {  	s28 =	simm.s32 $0x1D7A0;
	v0 =	vld.idx.msk [tilespmem:v0+s17+$0x0], $0xffff  }
0x2d7: {  	s1 =	simm.s32 $0x30B0;
	v3 =	vld.idx.msk [tilespmem:v3+s17+$0x0], $0xffff;
	[tilespmem:s28+$0xFFFFFFE0] =	vst v1  }
0x2d8: {  	v1 =	vld [tilespmem:s1+$0xFFFFFFE0];
	_ =	sdelay $0x2  }
0x2d9: {  	v2 =	vld.idx.msk [tilespmem:v2+s17+$0x0], $0xffff;
	[tilespmem:s25+$0xFFFFFFF0] =	vst v0  }
0x2da: {  	s2 =	simm.s32 $0x140;
	s29 =	simm.s32 $0x1D7E0;
	v0 =	vld [tilespmem:s5+$0xFFFFFFF0]  }
0x2db: {  	s0 =	sand.u32 $0xFC0, s2;
	[tilespmem:s29+$0xFFFFFFE0] =	vst v3;
	v3 =	vld.idx.msk [tilespmem:v4+s17+$0x0], $0xffff  }
0x2dc: {  	v5 =	vld [tilespmem:s0+$0x3000];
	s0 =	simm.s32 $0x30F0  }
0x2dd: {  	v4 =	vld [tilespmem:s0+$0xFFFFFFE0]  }
0x2de: {  	s4 =	simm.s32 $0x180;
	[tilespmem:s26+$0xFFFFFFF0] =	vst v2;
	v1 =	vld.idx.msk [tilespmem:v1+s17+$0x0], $0xffff  }
0x2df: {  	s30 =	simm.s32 $0x1D820;
	s6 =	sand.u32 $0xFC0, s4;
	v2 =	vld [tilespmem:s9+$0xFFFFFFF0]  }
0x2e0: {  	v6 =	vld [tilespmem:s6+$0x3000];
	s2 =	simm.s32 $0x3130;
	[tilespmem:s30+$0xFFFFFFE0] =	vst v3  }
0x2e1: {  	s7 =	simm.s32 $0x1C0;
	v3 =	vld [tilespmem:s2+$0xFFFFFFE0]  }
0x2e2: {  	s8 =	sand.u32 $0xFC0, s7;
	v0 =	vld.idx.msk [tilespmem:v0+s17+$0x0], $0xffff  }
0x2e3: {  	v9 =	vld [tilespmem:s8+$0x3000]  }
0x2e4: {  	v5 =	vld.idx.msk [tilespmem:v5+s17+$0x0], $0xffff;
	[tilespmem:s28+$0xFFFFFFF0] =	vst v1  }
0x2e5: {  	v7 =	vld [tilespmem:s1+$0xFFFFFFF0]  }
0x2e6: {  	v1 =	vld.idx.msk [tilespmem:v4+s17+$0x0], $0xffff  }
0x2e7: {  	v8 =	vld.idx.msk [tilespmem:v2+s17+$0x0], $0xffff;
	[tilespmem:s25+$0x0] =	vst v0  }
0x2e8: {  	s31 =	simm.s32 $0x1D860;
	v0 =	vld [tilespmem:s5+$0x0]  }
0x2e9: {  	[tilespmem:s31+$0xFFFFFFE0] =	vst v5;
	v5 =	vld.idx.msk [tilespmem:v6+s17+$0x0], $0xffff  }
0x2ea: {  	s4 =	simm.s32 $0x3170;
	v10 =	vld.idx.msk [tilespmem:v3+s17+$0x0], $0xffff  }
0x2eb: {  	v4 =	vld [tilespmem:s4+$0xFFFFFFE0];
	[tilespmem:s29+$0xFFFFFFF0] =	vst v1  }
0x2ec: {  	v2 =	vld [tilespmem:s0+$0xFFFFFFF0]  }
0x2ed: {  	s6 =	simm.s32 $0x200;
	[tilespmem:s26+$0x0] =	vst v8;
	v3 =	vld.idx.msk [tilespmem:v7+s17+$0x0], $0xffff  }
0x2ee: {  	v1 =	vld [tilespmem:s9+$0x0];
	s9 =	sand.u32 $0xFC0, s6  }
0x2ef: {  	s7 =	simm.s32 $0x1D8A0;
	v8 =	vld [tilespmem:s9+$0x3000]  }
0x2f0: {  	s8 =	simm.s32 $0x31B0;
	[tilespmem:s7+$0xFFFFFFE0] =	vst v5;
	v0 =	vld.idx.msk [tilespmem:v0+s17+$0x0], $0xffff  }
0x2f1: {  	v6 =	vld [tilespmem:s8+$0xFFFFFFE0];
	[tilespmem:s30+$0xFFFFFFF0] =	vst v10  }
0x2f2: {  	v5 =	vld [tilespmem:s2+$0xFFFFFFF0]  }
0x2f3: {  	s3 =	simm.s32 $0x1D8A0;
	v7 =	vld.idx.msk [tilespmem:v9+s17+$0x0], $0xffff;
	s5 =	simm.s32 $0x31B0  }
.LBB2_16:
0x2f4: {  	s6 =	sadd.s32 $0x40, s6;
	v9 =	vld.idx.msk [tilespmem:v4+s17+$0x0], $0xffff;
	[tilespmem:s28+$0x0] =	vst v3  }
0x2f5: {  	s9 =	sand.u32 $0xFC0, s6;
	p0 =	slt.u32 s6, $0xFC0;
	v10 =	vld [tilespmem:s1+$0x0];
	[tilespmem:s25+$0x10] =	vst v0;
	v11 =	vmov v8;
	s25 =	smov.u32 s26  }
0x2f6: {  	s7 =	sadd.s32 $0x40, s7;
	s26 =	smov.u32 s28;
	s28 =	smov.u32 s29;
	v3 =	vld.idx.msk [tilespmem:v2+s17+$0x0], $0xffff;
	v4 =	vmov v6  }
.Ltmp7:
0x2f7: {  	s8 =	sadd.s32 $0x40, s8;
	s29 =	smov.u32 s30;
	v0 =	vld.idx.msk [tilespmem:v1+s17+$0x0], $0xffff;
	(pc) =	sbr.rel @p0 .LBB2_16-.Ltmp7, $4  }
0x2f8: {  	s30 =	smov.u32 s31;
	s31 =	smov.u32 s3;
	s3 =	smov.u32 s7;
	v8 =	vld [tilespmem:s9+$0x3000];
	[tilespmem:s7+$0xFFFFFFE0] =	vst v7;
	v2 =	vmov v5  }
0x2f9: {  	s1 =	smov.u32 s0;
	s0 =	smov.u32 s2;
	s2 =	smov.u32 s4;
	v6 =	vld [tilespmem:s8+$0xFFFFFFE0]  }
0x2fa: {  	s4 =	smov.u32 s5;
	s5 =	smov.u32 s8;
	v7 =	vld.idx.msk [tilespmem:v11+s17+$0x0], $0xffff;
	[tilespmem:s30+$0xFFFFFFF0] =	vst v9;
	v1 =	vmov v10  }
0x2fb: {  	v5 =	vld [tilespmem:s2+$0xFFFFFFF0]  }
0x2fc: {  	_ =	sdelay $0x4  }
0x2fd: {  	v8 =	vld.idx.msk [tilespmem:v8+s17+$0x0], $0xffff;
	_ =	sdelay $0x2  }
0x2fe: {  	s6 =	sadd.s32 $0x40, s7  }
0x2ff: {  	s7 =	sadd.s32 $0x40, s8;
	s8 =	sadd.s32 $0x40, s6;
	[tilespmem:s6+$0xFFFFFFE0] =	vst v7  }
0x300: {  	s9 =	sadd.s32 $0x40, s7;
	v7 =	vld [tilespmem:s7+$0xFFFFFFE0];
	[tilespmem:s8+$0xFFFFFFE0] =	vst v8  }
0x301: {  	v8 =	vld [tilespmem:s9+$0xFFFFFFE0];
	_ =	sdelay $0x3  }
0x302: {  	v4 =	vld.idx.msk [tilespmem:v4+s17+$0x0], $0xffff;
	_ =	sdelay $0x1  }
0x303: {  	v6 =	vld.idx.msk [tilespmem:v6+s17+$0x0], $0xffff  }
0x304: {  	v7 =	vld.idx.msk [tilespmem:v7+s17+$0x0], $0xffff  }
0x305: {  	v8 =	vld.idx.msk [tilespmem:v8+s17+$0x0], $0xffff  }
0x306: {  	[tilespmem:s31+$0xFFFFFFF0] =	vst v4  }
0x307: {  	v4 =	vld [tilespmem:s4+$0xFFFFFFF0]  }
0x308: {  	[tilespmem:s3+$0xFFFFFFF0] =	vst v6  }
0x309: {  	v6 =	vld [tilespmem:s5+$0xFFFFFFF0];
	[tilespmem:s6+$0xFFFFFFF0] =	vst v7  }
0x30a: {  	v7 =	vld [tilespmem:s7+$0xFFFFFFF0];
	[tilespmem:s8+$0xFFFFFFF0] =	vst v8  }
0x30b: {  	v8 =	vld [tilespmem:s9+$0xFFFFFFF0];
	_ =	sdelay $0x1  }
0x30c: {  	v2 =	vld.idx.msk [tilespmem:v2+s17+$0x0], $0xffff  }
0x30d: {  	v5 =	vld.idx.msk [tilespmem:v5+s17+$0x0], $0xffff  }
0x30e: {  	[tilespmem:s28+$0x0] =	vst v3;
	v4 =	vld.idx.msk [tilespmem:v4+s17+$0x0], $0xffff  }
0x30f: {  	v3 =	vld [tilespmem:s1+$0x0]  }
0x310: {  	v6 =	vld.idx.msk [tilespmem:v6+s17+$0x0], $0xffff  }
0x311: {  	v7 =	vld.idx.msk [tilespmem:v7+s17+$0x0], $0xffff  }
0x312: {  	[tilespmem:s30+$0x0] =	vst v5;
	v59 =	vld.idx.msk [tilespmem:v8+s17+$0x0], $0xffff  }
0x313: {  	v5 =	vld [tilespmem:s2+$0x0];
	[tilespmem:s31+$0x0] =	vst v4  }
0x314: {  	[tilespmem:s29+$0x0] =	vst v2;
	v4 =	vld [tilespmem:s4+$0x0]  }
0x315: {  	v60 =	vld [tilespmem:s0+$0x0];
	[tilespmem:s3+$0x0] =	vst v6  }
0x316: {  	v6 =	vld [tilespmem:s5+$0x0];
	[tilespmem:s6+$0x0] =	vst v7  }
0x317: {  	v7 =	vld [tilespmem:s7+$0x0];
	[tilespmem:s8+$0x0] =	vst v59  }
0x318: {  	v2 =	vld [tilespmem:s9+$0x0]  }
0x319: {  	v1 =	vld.idx.msk [tilespmem:v1+s17+$0x0], $0xffff  }
0x31a: {  	v3 =	vld.idx.msk [tilespmem:v3+s17+$0x0], $0xffff  }
0x31b: {  	v5 =	vld.idx.msk [tilespmem:v5+s17+$0x0], $0xffff  }
0x31c: {  	v61 =	vld.idx.msk [tilespmem:v4+s17+$0x0], $0xffff  }
0x31d: {  	[tilespmem:s25+$0x10] =	vst v0;
	v8 =	vld.idx.msk [tilespmem:v60+s17+$0x0], $0xffff  }
0x31e: {  	[tilespmem:s26+$0x10] =	vst v1;
	v62 =	vld.idx.msk [tilespmem:v6+s17+$0x0], $0xffff  }
0x31f: {  	[tilespmem:s28+$0x10] =	vst v3;
	v63 =	vld.idx.msk [tilespmem:v7+s17+$0x0], $0xffff  }
0x320: {  	[tilespmem:s30+$0x10] =	vst v5;
	v2 =	vld.idx.msk [tilespmem:v2+s17+$0x0], $0xffff  }
0x321: {  	[tilespmem:s31+$0x10] =	vst v61  }
0x322: {  	[tilespmem:s29+$0x10] =	vst v8  }
0x323: {  	[tilespmem:s3+$0x10] =	vst v62  }
0x324: {  	[tilespmem:s6+$0x10] =	vst v63  }
0x325: {  	s24 =	sadd.s32 $0x1, s24;
	[tilespmem:s8+$0x10] =	vst v2  }
0x326: {  	[hbm4b:s13+s15] =	stream.strided.scatter [tilespmem:s21], [sflag:$0x4], $0x1000, s16, s15, $0x38;
	[tilespmem:$0x1E700] =	vst v63  }
0x327: {  	p0 =	sne.s32 s24, s14;
	_ =	swait.ge [sflag:s22], $0x1000  }
.Ltmp8:
0x328: {  	[sflag:s22] =	ssyncset.done $0x0;
	(pc) =	sbr.rel @p0 .LBB2_1-.Ltmp8, $4  }
0x329: {  	[sflag:s22] =	ssyncadd.s32 $0xFFFFF000  }
0x32a: {  	_ =	swait.ge [sflag:s23], $0x1000  }
0x32b: {  	[sflag:s23] =	ssyncset.done $0x0  }
0x32c: {  	[sflag:s23] =	ssyncadd.s32 $0xFFFFF000  }
0x32d: {  	_ =	sfence.sel $0x180000  }
0x32e: {  	[bflag:$0x0] =	sbarrier.arrive $0xFFFF  }
0x32f: {  	_ =	strace $0x90000047  }
0x330: {  	s0 =	stileid.u32;
	[bflag:$0x2] =	sbarrier.arrive $0xFFFF  }
0x331: {  	p0 =	sne.s32 s0, $0x0;
	s0 =	rddreg [dreg:$0x3]  }
0x332: {  	s0 =	sadd.s32 @!p0 $0x100000, s0  }
0x333: {  	[sflag:s0] =	ssyncadd.tile.s32 @!p0 $0x1;
	_ =	shalt  }
.Lfunc_end2:
_tile_overlayer_lowered:
.L_overlay_start_2:
0x334: {  	(tag) =	ssettag $0x2  }
0x335: {  	s0 =	rddreg [dreg:$0x0];
	s2 =	stileid.u32  }
0x336: {  	s1 =	rddreg [dreg:$0x1];
	p0 =	sne.s32 s2, $0x0  }
0x337: {  	s3 =	rddreg [dreg:$0x2];
	[bflag:$0x3] =	sbarrier.arrive $0xFFFF;
	s2 =	simm.s32 @!p0 $0x1C05  }
0x338: {  	[timem:s3], [sflag:s2] =	dma.local @!p0 [hbm:s0], s1  }
0x339: {  	s0 =	simm.s32 @!p0 $0x5  }
0x33a: {  	_ =	swait.ge @!p0 [sflag:s0], s1  }
0x33b: {  	s1 =	ssub.s32 @!p0 $0x0, s1;
	[sflag:s0] =	ssyncset.done @!p0 $0x0  }
0x33c: {  	[sflag:s0] =	ssyncadd.s32 @!p0 s1  }
0x33d: {  	[bflag:$0x3] =	sbarrier.arrive $0xFFFF  }
0x33e: {  	_ =	shalt  }

</sc_bundles>
